<compile_context>
chip_gen: v7x
topology: tpu7x:2x2x1
jax: 0.10.2.dev20260603
libtpu: 0.0.44.dev20260713+nightly
codegen_flags: <defaults>
</compile_context>

<pallas_src>
import functools

import jax
import jax.numpy as jnp
from jax import lax
from jax.experimental import pallas as pl
from jax.experimental.pallas import tpu as pltpu
from jax.experimental.pallas import tpu_sc as plsc

N_NODES = 2048
E = 32768
IN = 32
OUT = 128
EF = 16
ZDIM = EF * IN

NC, NS = 2, 16
NW = NC * NS
EPW = E // NW
C = 128
K = EPW // C

def _gather_body(n_hbm, src_hbm, h_out, idx_v, rows_v, sem0, sem1):
    cc = lax.axis_index("c")
    ss = lax.axis_index("s")
    wid = ss * NC + cc
    sems = (sem0, sem1)
    pltpu.sync_copy(src_hbm.at[wid], idx_v)
    prev = pltpu.async_copy(n_hbm.at[idx_v.at[0]], rows_v.at[0], sems[0])
    for k in range(1, K):
        cur = pltpu.async_copy(n_hbm.at[idx_v.at[k]], rows_v.at[k % 2], sems[k % 2])
        prev.wait()
        pltpu.sync_copy(
            rows_v.at[(k - 1) % 2], h_out.at[pl.ds(wid * EPW + (k - 1) * C, C)]
        )
        prev = cur
    prev.wait()
    pltpu.sync_copy(
        rows_v.at[(K - 1) % 2], h_out.at[pl.ds(wid * EPW + (K - 1) * C, C)]
    )


def _msg_body(e_ref, h_ref, w2_ref, bm_ref, m_ref):
    e_blk = e_ref[...]
    h_blk = h_ref[...]
    lane_r = lax.broadcasted_iota(jnp.int32, (EF, ZDIM), 1)
    row_r = lax.broadcasted_iota(jnp.int32, (EF, ZDIM), 0)
    rmat = (lane_r // IN == row_r).astype(jnp.float32)
    lane_t = lax.broadcasted_iota(jnp.int32, (IN, ZDIM), 1)
    row_t = lax.broadcasted_iota(jnp.int32, (IN, ZDIM), 0)
    tmat = (lane_t % IN == row_t).astype(jnp.float32)
    e_exp = lax.dot_general(
        e_blk, rmat, (((1,), (0,)), ((), ())),
        preferred_element_type=jnp.float32,
    )
    h_til = lax.dot_general(
        h_blk, tmat, (((1,), (0,)), ((), ())),
        preferred_element_type=jnp.float32,
    )
    z = e_exp * h_til
    acc = lax.dot_general(
        z, w2_ref[...], (((1,), (0,)), ((), ())), preferred_element_type=jnp.float32
    )
    acc = acc + lax.dot_general(
        h_blk, bm_ref[...], (((1,), (0,)), ((), ())),
        preferred_element_type=jnp.float32,
    )
    m_ref[...] = acc


def _msg_call(e, h_src, w2, bmat):
    blk = 2048
    grid = E // blk
    return pl.pallas_call(
        _msg_body,
        grid=(grid,),
        in_specs=[
            pl.BlockSpec((blk, EF), lambda i: (i, 0)),
            pl.BlockSpec((blk, IN), lambda i: (i, 0)),
            pl.BlockSpec((ZDIM, OUT), lambda i: (0, 0)),
            pl.BlockSpec((IN, OUT), lambda i: (0, 0)),
        ],
        out_specs=pl.BlockSpec((blk, OUT), lambda i: (i, 0)),
        out_shape=jax.ShapeDtypeStruct((E, OUT), jnp.float32),
    )(e, h_src, w2, bmat)


_RPS = N_NODES // NS


def _scatter_body(m_hbm, dst_hbm, zeros_hbm, out_hbm, idx_v, m_v, agg_sh,
                  sem0, sem1):
    cc = lax.axis_index("c")
    ss = lax.axis_index("s")
    wid = ss * NC + cc
    sems = (sem0, sem1)
    prev = pltpu.async_copy(m_hbm.at[pl.ds(wid * EPW, C)], m_v.at[0], sems[0])
    pltpu.sync_copy(
        zeros_hbm.at[pl.ds(ss * _RPS, _RPS)], agg_sh.at[pl.ds(ss * _RPS, _RPS)]
    )
    pltpu.sync_copy(dst_hbm.at[wid], idx_v)
    plsc.subcore_barrier()
    for k in range(K):
        if k + 1 < K:
            nxt = pltpu.async_copy(
                m_hbm.at[pl.ds(wid * EPW + (k + 1) * C, C)],
                m_v.at[(k + 1) % 2],
                sems[(k + 1) % 2],
            )
        prev.wait()
        pltpu.sync_copy(m_v.at[k % 2], agg_sh.at[idx_v.at[k]], add=True)
        if k + 1 < K:
            prev = nxt
    plsc.subcore_barrier()
    pltpu.sync_copy(
        agg_sh.at[pl.ds(ss * _RPS, _RPS)], out_hbm.at[cc, pl.ds(ss * _RPS, _RPS)]
    )


@functools.lru_cache(maxsize=None)
def _sc_kernels():
    mesh = plsc.VectorSubcoreMesh(
        core_axis_name="c", subcore_axis_name="s", num_cores=NC, num_subcores=NS
    )
    gather = pl.kernel(
        _gather_body,
        mesh=mesh,
        out_type=jax.ShapeDtypeStruct((E, IN), jnp.float32),
        scratch_types=[
            pltpu.VMEM((K, C), jnp.int32),
            pltpu.VMEM((2, C, IN), jnp.float32),
            pltpu.SemaphoreType.DMA,
            pltpu.SemaphoreType.DMA,
        ],
        compiler_params=pltpu.CompilerParams(use_tc_tiling_on_sc=False),
    )
    scatter = pl.kernel(
        _scatter_body,
        mesh=mesh,
        out_type=jax.ShapeDtypeStruct((NC, N_NODES, OUT), jnp.float32),
        scratch_types=[
            pltpu.VMEM((K, C), jnp.int32),
            pltpu.VMEM((2, C, OUT), jnp.float32),
            pltpu.VMEM_SHARED((N_NODES, OUT), jnp.float32),
            pltpu.SemaphoreType.DMA,
            pltpu.SemaphoreType.DMA,
        ],
    )
    return gather, scatter


def _pool_body(p_ref, cb_ref, gw_ref, gb_ref, f1w_ref, f1b_ref, f2w_ref, f2b_ref,
               o_ref):
    h = p_ref[0] + p_ref[1] + cb_ref[...]
    g = jnp.sum(h * gw_ref[...], axis=1, keepdims=True) + gb_ref[...]
    gmax = jnp.max(g)
    ex = jnp.exp(g - gmax)
    gate = ex / jnp.sum(ex)
    readout = jnp.sum(gate * h, axis=0, keepdims=True)
    h2 = jnp.where(readout > 0, readout, jnp.exp(readout) - 1.0)
    t = lax.dot_general(
        h2, f1w_ref[...], (((1,), (0,)), ((), ())), preferred_element_type=jnp.float32
    )
    t = jnp.maximum(t + f1b_ref[...], 0.0)
    o = lax.dot_general(
        t, f2w_ref[...], (((1,), (0,)), ((), ())), preferred_element_type=jnp.float32
    )
    o_ref[...] = o + f2b_ref[...]


def _pool_call(partials, conv_bias, gate_w, gate_b, f1w, f1b, f2w, f2b):
    return pl.pallas_call(
        _pool_body,
        out_shape=jax.ShapeDtypeStruct((1, 1), jnp.float32),
    )(partials, conv_bias, gate_w, gate_b, f1w, f1b, f2w, f2b)


def kernel(n, edge_index, e, W_edge, b_edge, conv_bias, gate_W, gate_b,
           fc1_W, fc1_b, fc2_W, fc2_b):
    src = edge_index[0].reshape(NW, K, C)
    dst = edge_index[1].reshape(NW, K, C)
    w2 = W_edge.reshape(ZDIM, OUT)
    bmat = b_edge.reshape(IN, OUT)
    zeros = jnp.zeros((N_NODES, OUT), jnp.float32)

    gather_k, scatter_k = _sc_kernels()
    h_src = gather_k(n, src)
    m = _msg_call(e, h_src, w2, bmat)
    partials = scatter_k(m, dst, zeros)

    out = _pool_call(
        partials,
        conv_bias.reshape(1, OUT),
        gate_W.reshape(1, OUT),
        gate_b.reshape(1, 1),
        fc1_W,
        fc1_b.reshape(1, 32),
        fc2_W,
        fc2_b.reshape(1, 1),
    )
    return out

# --- scband reference (transcript-rebuilt; emitter-appended) ---
"""Pipeline reference for scband-gat-45827301048579 (READ-ONLY COPY).

The authoritative reference and input builder live on the scoring server;
editing this copy changes nothing except your own understanding.
"""

import jax, jax.numpy as jnp
import numpy as np

N_NODES = 2048
E = 32768
IN = 32
OUT = 128
EF = 16

def setup_inputs(seed: int = 0) -> dict:
    key = jax.random.key(seed)
    ks = jax.random.split(key, 12)
    n = jax.random.normal(ks[0], (N_NODES, IN), dtype=jnp.float32)
    edge_index = jax.random.randint(ks[1], (2, E), 0, N_NODES, dtype=jnp.int32)
    e = jax.random.normal(ks[2], (E, EF), dtype=jnp.float32)
    W_edge = jax.random.normal(ks[3], (EF, IN * OUT), dtype=jnp.float32) * (1.0 / np.sqrt(EF))
    b_edge = jnp.zeros((IN * OUT,), dtype=jnp.float32)
    conv_bias = jnp.zeros((OUT,), dtype=jnp.float32)
    gate_W = jax.random.normal(ks[4], (OUT, 1), dtype=jnp.float32) * (1.0 / np.sqrt(OUT))
    gate_b = jnp.zeros((1,), dtype=jnp.float32)
    fc1_W = jax.random.normal(ks[5], (OUT, 32), dtype=jnp.float32) * (1.0 / np.sqrt(OUT))
    fc1_b = jnp.zeros((32,), dtype=jnp.float32)
    fc2_W = jax.random.normal(ks[6], (32, 1), dtype=jnp.float32) * (1.0 / np.sqrt(32))
    fc2_b = jnp.zeros((1,), dtype=jnp.float32)
    return {"n": n, "edge_index": edge_index, "e": e, "W_edge": W_edge, "b_edge": b_edge,
            "conv_bias": conv_bias, "gate_W": gate_W, "gate_b": gate_b,
            "fc1_W": fc1_W, "fc1_b": fc1_b, "fc2_W": fc2_W, "fc2_b": fc2_b}

def reference(n, edge_index, e, W_edge, b_edge, conv_bias, gate_W, gate_b, fc1_W, fc1_b, fc2_W, fc2_b):
    src = edge_index[0]
    dst = edge_index[1]
    # NNConv: edge_func produces per-edge weight matrices [E, IN, OUT]
    w = (e @ W_edge + b_edge).reshape(E, IN, OUT)
    h_src = jnp.take(n, src, axis=0)                       # gather [E, IN]
    m = jnp.einsum('ei,eio->eo', h_src, w)                 # per-edge matvec [E, OUT]
    agg = jax.ops.segment_sum(m, dst, num_segments=N_NODES)  # scatter-add by dst
    h = agg + conv_bias                                    # [N, OUT]
    # GlobalAttentionPooling (single graph): softmax over all nodes
    gate = h @ gate_W + gate_b                             # [N, 1]
    gate = jax.nn.softmax(gate, axis=0)
    readout = jnp.sum(gate * h, axis=0, keepdims=True)     # [1, OUT]
    h2 = jax.nn.elu(readout)
    out = jax.nn.relu(h2 @ fc1_W + fc1_b) @ fc2_W + fc2_b  # [1, 1]
    return out

if __name__ == "__main__":
    import jax
    _d = setup_inputs()
    print(jax.jit(kernel)(*tuple(_d.values())))

</pallas_src>

<mosaic_0001>
#map = affine_map<(d0, d1) -> (0, 0)>
#map1 = affine_map<(d0, d1) -> (0, 0, 0)>
module attributes {stable_mosaic.version = 14 : i64} {
  func.func @_scatter_body(%arg0: i32, %arg1: i32, %arg2: memref<32768x128xf32, #tpu.memory_space<hbm>>, %arg3: memref<32x8x128xi32, #tpu.memory_space<hbm>>, %arg4: memref<2048x128xf32, #tpu.memory_space<hbm>>, %arg5: memref<2x2048x128xf32, #tpu.memory_space<hbm>>, %arg6: memref<8x128xi32, #tpu.memory_space<vmem>>, %arg7: memref<2x128x128xf32, #tpu.memory_space<vmem>>, %arg8: memref<2048x128xf32, #tpu.memory_space<vmem_shared>>, %arg9: memref<!tpu.dma_semaphore, #tpu.memory_space<semaphore_mem>>, %arg10: memref<!tpu.dma_semaphore, #tpu.memory_space<semaphore_mem>>) attributes {dimension_semantics = [#tpu.dimension_semantics<core_parallel>, #tpu.dimension_semantics<subcore_parallel>], iteration_bounds = array<i64: 2, 16>, scalar_prefetch = 0 : i64, scratch_operands = 5 : i64, tpu.core_type = #tpu.core_type<sc_vector_subcore>, window_params = [{transform_indices = #map}, {transform_indices = #map1}, {transform_indices = #map}, {transform_indices = #map1}]} {
    %mul3A = arith.constant 2 : i32
    %mul3A_0 = arith.muli %arg1, %mul3A : i32
    %add3A = arith.addi %mul3A_0, %arg0 : i32
    %mul3A_1 = arith.constant 1024 : i32
    %mul3A_2 = arith.muli %add3A, %mul3A_1 : i32
    %dma_start3A = arith.constant 0 : i32
    %dma_start3A_3 = arith.constant 0 : i32
    %dma_start3A_4 = arith.constant 0 : i32
    %dma_start3A_5 = tpu.memref_slice %arg7[%dma_start3A, %dma_start3A_3, %dma_start3A_4] : memref<2x128x128xf32, #tpu.memory_space<vmem>> -> memref<1x128x128xf32, #tpu.memory_space<vmem>>
    %dma_start3A_6 = tpu.memref_squeeze %dma_start3A_5 : memref<1x128x128xf32, #tpu.memory_space<vmem>> -> memref<128x128xf32, #tpu.memory_space<vmem>>
    %dma_start3A_7 = arith.constant 0 : i32
    %dma_start3A_8 = tpu.memref_slice %arg2[%mul3A_2, %dma_start3A_7] : memref<32768x128xf32, #tpu.memory_space<hbm>> -> memref<128x128xf32, #tpu.memory_space<hbm>>
    %dma_start3A_9 = arith.constant 0 : i32
    %dma_start3A_10 = arith.constant 0 : i32
    %dma_start3A_11 = tpu.memref_slice %arg7[%dma_start3A, %dma_start3A_9, %dma_start3A_10] : memref<2x128x128xf32, #tpu.memory_space<vmem>> -> memref<1x128x128xf32, #tpu.memory_space<vmem>>
    %dma_start3A_12 = tpu.memref_squeeze %dma_start3A_11 : memref<1x128x128xf32, #tpu.memory_space<vmem>> -> memref<128x128xf32, #tpu.memory_space<vmem>>
    %dma_start3A_13 = arith.constant 0 : i32
    %dma_start3A_14 = tpu.memref_slice %arg2[%mul3A_2, %dma_start3A_13] : memref<32768x128xf32, #tpu.memory_space<hbm>> -> memref<128x128xf32, #tpu.memory_space<hbm>>
    tpu.enqueue_dma source(%dma_start3A_14 : memref<128x128xf32, #tpu.memory_space<hbm>>) target(%dma_start3A_12 : memref<128x128xf32, #tpu.memory_space<vmem>>) target_semaphore(%arg9 : memref<!tpu.dma_semaphore, #tpu.memory_space<semaphore_mem>>)
    %mul3A_15 = arith.constant 128 : i32
    %mul3A_16 = arith.muli %arg1, %mul3A_15 : i32
    %mul3A_17 = arith.constant 128 : i32
    %mul3A_18 = arith.muli %arg1, %mul3A_17 : i32
    "tpu.region"() ({
      %run_scoped3A_261 = tpu.sem_alloc : memref<!tpu.dma_semaphore, #tpu.memory_space<semaphore_mem>>
      %dma_start3A_262 = arith.constant 0 : i32
      %dma_start3A_263 = tpu.memref_slice %arg8[%mul3A_18, %dma_start3A_262] : memref<2048x128xf32, #tpu.memory_space<vmem_shared>> -> memref<128x128xf32, #tpu.memory_space<vmem_shared>>
      %dma_start3A_264 = arith.constant 0 : i32
      %dma_start3A_265 = tpu.memref_slice %arg4[%mul3A_16, %dma_start3A_264] : memref<2048x128xf32, #tpu.memory_space<hbm>> -> memref<128x128xf32, #tpu.memory_space<hbm>>
      tpu.enqueue_dma source(%dma_start3A_265 : memref<128x128xf32, #tpu.memory_space<hbm>>) target(%dma_start3A_263 : memref<128x128xf32, #tpu.memory_space<vmem_shared>>) target_semaphore(%run_scoped3A_261 : memref<!tpu.dma_semaphore, #tpu.memory_space<semaphore_mem>>)
      %dma_wait3A_266 = arith.constant 0 : i32
      %dma_wait3A_267 = tpu.memref_slice %arg8[%mul3A_18, %dma_wait3A_266] : memref<2048x128xf32, #tpu.memory_space<vmem_shared>> -> memref<128x128xf32, #tpu.memory_space<vmem_shared>>
      %dma_wait3A_268 = arith.constant 0 : i32
      %dma_wait3A_269 = tpu.memref_slice %arg4[%mul3A_16, %dma_wait3A_268] : memref<2048x128xf32, #tpu.memory_space<hbm>> -> memref<128x128xf32, #tpu.memory_space<hbm>>
      tpu.wait_dma2 semaphore(%run_scoped3A_261 : memref<!tpu.dma_semaphore, #tpu.memory_space<semaphore_mem>>) src(%dma_wait3A_269 : memref<128x128xf32, #tpu.memory_space<hbm>>) dst(%dma_wait3A_267 : memref<128x128xf32, #tpu.memory_space<vmem_shared>>)
      tpu.yield
    }) : () -> ()
    "tpu.region"() ({
      %run_scoped3A_261 = tpu.sem_alloc : memref<!tpu.dma_semaphore, #tpu.memory_space<semaphore_mem>>
      %dma_start3A_262 = arith.constant 0 : i32
      %dma_start3A_263 = arith.constant 0 : i32
      %dma_start3A_264 = tpu.memref_slice %arg3[%add3A, %dma_start3A_262, %dma_start3A_263] : memref<32x8x128xi32, #tpu.memory_space<hbm>> -> memref<1x8x128xi32, #tpu.memory_space<hbm>>
      %dma_start3A_265 = tpu.memref_squeeze %dma_start3A_264 : memref<1x8x128xi32, #tpu.memory_space<hbm>> -> memref<8x128xi32, #tpu.memory_space<hbm>>
      %dma_start3A_266 = arith.constant 0 : i32
      %dma_start3A_267 = arith.constant 0 : i32
      %dma_start3A_268 = tpu.memref_slice %arg3[%add3A, %dma_start3A_266, %dma_start3A_267] : memref<32x8x128xi32, #tpu.memory_space<hbm>> -> memref<1x8x128xi32, #tpu.memory_space<hbm>>
      %dma_start3A_269 = tpu.memref_squeeze %dma_start3A_268 : memref<1x8x128xi32, #tpu.memory_space<hbm>> -> memref<8x128xi32, #tpu.memory_space<hbm>>
      tpu.enqueue_dma source(%dma_start3A_269 : memref<8x128xi32, #tpu.memory_space<hbm>>) target(%arg6 : memref<8x128xi32, #tpu.memory_space<vmem>>) target_semaphore(%run_scoped3A_261 : memref<!tpu.dma_semaphore, #tpu.memory_space<semaphore_mem>>)
      %dma_wait3A_270 = arith.constant 0 : i32
      %dma_wait3A_271 = arith.constant 0 : i32
      %dma_wait3A_272 = tpu.memref_slice %arg3[%add3A, %dma_wait3A_270, %dma_wait3A_271] : memref<32x8x128xi32, #tpu.memory_space<hbm>> -> memref<1x8x128xi32, #tpu.memory_space<hbm>>
      %dma_wait3A_273 = tpu.memref_squeeze %dma_wait3A_272 : memref<1x8x128xi32, #tpu.memory_space<hbm>> -> memref<8x128xi32, #tpu.memory_space<hbm>>
      %dma_wait3A_274 = arith.constant 0 : i32
      %dma_wait3A_275 = arith.constant 0 : i32
      %dma_wait3A_276 = tpu.memref_slice %arg3[%add3A, %dma_wait3A_274, %dma_wait3A_275] : memref<32x8x128xi32, #tpu.memory_space<hbm>> -> memref<1x8x128xi32, #tpu.memory_space<hbm>>
      %dma_wait3A_277 = tpu.memref_squeeze %dma_wait3A_276 : memref<1x8x128xi32, #tpu.memory_space<hbm>> -> memref<8x128xi32, #tpu.memory_space<hbm>>
      tpu.wait_dma2 semaphore(%run_scoped3A_261 : memref<!tpu.dma_semaphore, #tpu.memory_space<semaphore_mem>>) src(%dma_wait3A_277 : memref<8x128xi32, #tpu.memory_space<hbm>>) dst(%arg6 : memref<8x128xi32, #tpu.memory_space<vmem>>)
      tpu.yield
    }) : () -> ()
    %barrier3A = arith.constant 0 : index
    tpu.barrier barrier_id(%barrier3A)
    %mul3A_19 = arith.constant 1024 : i32
    %mul3A_20 = arith.muli %add3A, %mul3A_19 : i32
    %add3A_21 = arith.constant 128 : i32
    %add3A_22 = arith.addi %mul3A_20, %add3A_21 : i32
    %dma_start3A_23 = arith.constant 1 : i32
    %dma_start3A_24 = arith.constant 0 : i32
    %dma_start3A_25 = arith.constant 0 : i32
    %dma_start3A_26 = tpu.memref_slice %arg7[%dma_start3A_23, %dma_start3A_24, %dma_start3A_25] : memref<2x128x128xf32, #tpu.memory_space<vmem>> -> memref<1x128x128xf32, #tpu.memory_space<vmem>>
    %dma_start3A_27 = tpu.memref_squeeze %dma_start3A_26 : memref<1x128x128xf32, #tpu.memory_space<vmem>> -> memref<128x128xf32, #tpu.memory_space<vmem>>
    %dma_start3A_28 = arith.constant 0 : i32
    %dma_start3A_29 = tpu.memref_slice %arg2[%add3A_22, %dma_start3A_28] : memref<32768x128xf32, #tpu.memory_space<hbm>> -> memref<128x128xf32, #tpu.memory_space<hbm>>
    %dma_start3A_30 = arith.constant 0 : i32
    %dma_start3A_31 = arith.constant 0 : i32
    %dma_start3A_32 = tpu.memref_slice %arg7[%dma_start3A_23, %dma_start3A_30, %dma_start3A_31] : memref<2x128x128xf32, #tpu.memory_space<vmem>> -> memref<1x128x128xf32, #tpu.memory_space<vmem>>
    %dma_start3A_33 = tpu.memref_squeeze %dma_start3A_32 : memref<1x128x128xf32, #tpu.memory_space<vmem>> -> memref<128x128xf32, #tpu.memory_space<vmem>>
    %dma_start3A_34 = arith.constant 0 : i32
    %dma_start3A_35 = tpu.memref_slice %arg2[%add3A_22, %dma_start3A_34] : memref<32768x128xf32, #tpu.memory_space<hbm>> -> memref<128x128xf32, #tpu.memory_space<hbm>>
    tpu.enqueue_dma source(%dma_start3A_35 : memref<128x128xf32, #tpu.memory_space<hbm>>) target(%dma_start3A_33 : memref<128x128xf32, #tpu.memory_space<vmem>>) target_semaphore(%arg10 : memref<!tpu.dma_semaphore, #tpu.memory_space<semaphore_mem>>)
    %dma_wait3A = arith.constant 0 : i32
    %dma_wait3A_36 = arith.constant 0 : i32
    %dma_wait3A_37 = arith.constant 0 : i32
    %dma_wait3A_38 = tpu.memref_slice %arg7[%dma_wait3A, %dma_wait3A_36, %dma_wait3A_37] : memref<2x128x128xf32, #tpu.memory_space<vmem>> -> memref<1x128x128xf32, #tpu.memory_space<vmem>>
    %dma_wait3A_39 = tpu.memref_squeeze %dma_wait3A_38 : memref<1x128x128xf32, #tpu.memory_space<vmem>> -> memref<128x128xf32, #tpu.memory_space<vmem>>
    %dma_wait3A_40 = arith.constant 0 : i32
    %dma_wait3A_41 = tpu.memref_slice %arg2[%mul3A_2, %dma_wait3A_40] : memref<32768x128xf32, #tpu.memory_space<hbm>> -> memref<128x128xf32, #tpu.memory_space<hbm>>
    %dma_wait3A_42 = arith.constant 0 : i32
    %dma_wait3A_43 = arith.constant 0 : i32
    %dma_wait3A_44 = tpu.memref_slice %arg7[%dma_wait3A, %dma_wait3A_42, %dma_wait3A_43] : memref<2x128x128xf32, #tpu.memory_space<vmem>> -> memref<1x128x128xf32, #tpu.memory_space<vmem>>
    %dma_wait3A_45 = tpu.memref_squeeze %dma_wait3A_44 : memref<1x128x128xf32, #tpu.memory_space<vmem>> -> memref<128x128xf32, #tpu.memory_space<vmem>>
    %dma_wait3A_46 = arith.constant 0 : i32
    %dma_wait3A_47 = tpu.memref_slice %arg2[%mul3A_2, %dma_wait3A_46] : memref<32768x128xf32, #tpu.memory_space<hbm>> -> memref<128x128xf32, #tpu.memory_space<hbm>>
    tpu.wait_dma2 semaphore(%arg9 : memref<!tpu.dma_semaphore, #tpu.memory_space<semaphore_mem>>) src(%dma_wait3A_47 : memref<128x128xf32, #tpu.memory_space<hbm>>) dst(%dma_wait3A_45 : memref<128x128xf32, #tpu.memory_space<vmem>>)
    %run_scoped3A = arith.constant 0 : i32
    %run_scoped3A_48 = arith.constant 0 : i32
    "tpu.region"() ({
      %run_scoped3A_261 = tpu.sem_alloc : memref<!tpu.dma_semaphore, #tpu.memory_space<semaphore_mem>>
      %dma_start3A_262 = arith.constant 0 : i32
      %dma_start3A_263 = arith.constant 0 : i32
      %dma_start3A_264 = tpu.memref_slice %arg7[%run_scoped3A, %dma_start3A_262, %dma_start3A_263] : memref<2x128x128xf32, #tpu.memory_space<vmem>> -> memref<1x128x128xf32, #tpu.memory_space<vmem>>
      %dma_start3A_265 = tpu.memref_squeeze %dma_start3A_264 : memref<1x128x128xf32, #tpu.memory_space<vmem>> -> memref<128x128xf32, #tpu.memory_space<vmem>>
      %dma_start3A_266 = arith.constant 0 : i32
      %dma_start3A_267 = tpu.memref_slice %arg6[%run_scoped3A_48, %dma_start3A_266] : memref<8x128xi32, #tpu.memory_space<vmem>> -> memref<1x128xi32, #tpu.memory_space<vmem>>
      %dma_start3A_268 = tpu.memref_squeeze %dma_start3A_267 : memref<1x128xi32, #tpu.memory_space<vmem>> -> memref<128xi32, #tpu.memory_space<vmem>>
      %dma_start3A_269 = arith.constant 0 : i32
      %dma_start3A_270 = arith.constant 0 : i32
      %dma_start3A_271 = tpu.memref_slice %arg8[%dma_start3A_269, %dma_start3A_270] : memref<2048x128xf32, #tpu.memory_space<vmem_shared>> -> memref<2048x128xf32, #tpu.memory_space<vmem_shared>>
      tpu.enqueue_indirect_dma source(%dma_start3A_265 : memref<128x128xf32, #tpu.memory_space<vmem>>) target(%dma_start3A_271 : memref<2048x128xf32, #tpu.memory_space<vmem_shared>>) offsets(%dma_start3A_268 : memref<128xi32, #tpu.memory_space<vmem>>) semaphore(%run_scoped3A_261 : memref<!tpu.dma_semaphore, #tpu.memory_space<semaphore_mem>>) {add = true}
      %dma_wait3A_272 = arith.constant 0 : i32
      %dma_wait3A_273 = arith.constant 0 : i32
      %dma_wait3A_274 = tpu.memref_slice %arg7[%run_scoped3A, %dma_wait3A_272, %dma_wait3A_273] : memref<2x128x128xf32, #tpu.memory_space<vmem>> -> memref<1x128x128xf32, #tpu.memory_space<vmem>>
      %dma_wait3A_275 = tpu.memref_squeeze %dma_wait3A_274 : memref<1x128x128xf32, #tpu.memory_space<vmem>> -> memref<128x128xf32, #tpu.memory_space<vmem>>
      %dma_wait3A_276 = arith.constant 0 : i32
      %dma_wait3A_277 = tpu.memref_slice %arg6[%run_scoped3A_48, %dma_wait3A_276] : memref<8x128xi32, #tpu.memory_space<vmem>> -> memref<1x128xi32, #tpu.memory_space<vmem>>
      %dma_wait3A_278 = tpu.memref_squeeze %dma_wait3A_277 : memref<1x128xi32, #tpu.memory_space<vmem>> -> memref<128xi32, #tpu.memory_space<vmem>>
      %dma_wait3A_279 = arith.constant 0 : i32
      %dma_wait3A_280 = arith.constant 0 : i32
      %dma_wait3A_281 = tpu.memref_slice %arg8[%dma_wait3A_279, %dma_wait3A_280] : memref<2048x128xf32, #tpu.memory_space<vmem_shared>> -> memref<2048x128xf32, #tpu.memory_space<vmem_shared>>
      tpu.wait_indirect_dma semaphore(%run_scoped3A_261 : memref<!tpu.dma_semaphore, #tpu.memory_space<semaphore_mem>>) src(%dma_wait3A_275 : memref<128x128xf32, #tpu.memory_space<vmem>>) dst(%dma_wait3A_281 : memref<2048x128xf32, #tpu.memory_space<vmem_shared>>)
      tpu.yield
    }) : () -> ()
    %mul3A_49 = arith.constant 1024 : i32
    %mul3A_50 = arith.muli %add3A, %mul3A_49 : i32
    %add3A_51 = arith.constant 256 : i32
    %add3A_52 = arith.addi %mul3A_50, %add3A_51 : i32
    %dma_start3A_53 = arith.constant 0 : i32
    %dma_start3A_54 = arith.constant 0 : i32
    %dma_start3A_55 = arith.constant 0 : i32
    %dma_start3A_56 = tpu.memref_slice %arg7[%dma_start3A_53, %dma_start3A_54, %dma_start3A_55] : memref<2x128x128xf32, #tpu.memory_space<vmem>> -> memref<1x128x128xf32, #tpu.memory_space<vmem>>
    %dma_start3A_57 = tpu.memref_squeeze %dma_start3A_56 : memref<1x128x128xf32, #tpu.memory_space<vmem>> -> memref<128x128xf32, #tpu.memory_space<vmem>>
    %dma_start3A_58 = arith.constant 0 : i32
    %dma_start3A_59 = tpu.memref_slice %arg2[%add3A_52, %dma_start3A_58] : memref<32768x128xf32, #tpu.memory_space<hbm>> -> memref<128x128xf32, #tpu.memory_space<hbm>>
    %dma_start3A_60 = arith.constant 0 : i32
    %dma_start3A_61 = arith.constant 0 : i32
    %dma_start3A_62 = tpu.memref_slice %arg7[%dma_start3A_53, %dma_start3A_60, %dma_start3A_61] : memref<2x128x128xf32, #tpu.memory_space<vmem>> -> memref<1x128x128xf32, #tpu.memory_space<vmem>>
    %dma_start3A_63 = tpu.memref_squeeze %dma_start3A_62 : memref<1x128x128xf32, #tpu.memory_space<vmem>> -> memref<128x128xf32, #tpu.memory_space<vmem>>
    %dma_start3A_64 = arith.constant 0 : i32
    %dma_start3A_65 = tpu.memref_slice %arg2[%add3A_52, %dma_start3A_64] : memref<32768x128xf32, #tpu.memory_space<hbm>> -> memref<128x128xf32, #tpu.memory_space<hbm>>
    tpu.enqueue_dma source(%dma_start3A_65 : memref<128x128xf32, #tpu.memory_space<hbm>>) target(%dma_start3A_63 : memref<128x128xf32, #tpu.memory_space<vmem>>) target_semaphore(%arg9 : memref<!tpu.dma_semaphore, #tpu.memory_space<semaphore_mem>>)
    %dma_wait3A_66 = arith.constant 1 : i32
    %dma_wait3A_67 = arith.constant 0 : i32
    %dma_wait3A_68 = arith.constant 0 : i32
    %dma_wait3A_69 = tpu.memref_slice %arg7[%dma_wait3A_66, %dma_wait3A_67, %dma_wait3A_68] : memref<2x128x128xf32, #tpu.memory_space<vmem>> -> memref<1x128x128xf32, #tpu.memory_space<vmem>>
    %dma_wait3A_70 = tpu.memref_squeeze %dma_wait3A_69 : memref<1x128x128xf32, #tpu.memory_space<vmem>> -> memref<128x128xf32, #tpu.memory_space<vmem>>
    %dma_wait3A_71 = arith.constant 0 : i32
    %dma_wait3A_72 = tpu.memref_slice %arg2[%add3A_22, %dma_wait3A_71] : memref<32768x128xf32, #tpu.memory_space<hbm>> -> memref<128x128xf32, #tpu.memory_space<hbm>>
    %dma_wait3A_73 = arith.constant 0 : i32
    %dma_wait3A_74 = arith.constant 0 : i32
    %dma_wait3A_75 = tpu.memref_slice %arg7[%dma_wait3A_66, %dma_wait3A_73, %dma_wait3A_74] : memref<2x128x128xf32, #tpu.memory_space<vmem>> -> memref<1x128x128xf32, #tpu.memory_space<vmem>>
    %dma_wait3A_76 = tpu.memref_squeeze %dma_wait3A_75 : memref<1x128x128xf32, #tpu.memory_space<vmem>> -> memref<128x128xf32, #tpu.memory_space<vmem>>
    %dma_wait3A_77 = arith.constant 0 : i32
    %dma_wait3A_78 = tpu.memref_slice %arg2[%add3A_22, %dma_wait3A_77] : memref<32768x128xf32, #tpu.memory_space<hbm>> -> memref<128x128xf32, #tpu.memory_space<hbm>>
    tpu.wait_dma2 semaphore(%arg10 : memref<!tpu.dma_semaphore, #tpu.memory_space<semaphore_mem>>) src(%dma_wait3A_78 : memref<128x128xf32, #tpu.memory_space<hbm>>) dst(%dma_wait3A_76 : memref<128x128xf32, #tpu.memory_space<vmem>>)
    %run_scoped3A_79 = arith.constant 1 : i32
    %run_scoped3A_80 = arith.constant 1 : i32
    "tpu.region"() ({
      %run_scoped3A_261 = tpu.sem_alloc : memref<!tpu.dma_semaphore, #tpu.memory_space<semaphore_mem>>
      %dma_start3A_262 = arith.constant 0 : i32
      %dma_start3A_263 = arith.constant 0 : i32
      %dma_start3A_264 = tpu.memref_slice %arg7[%run_scoped3A_79, %dma_start3A_262, %dma_start3A_263] : memref<2x128x128xf32, #tpu.memory_space<vmem>> -> memref<1x128x128xf32, #tpu.memory_space<vmem>>
      %dma_start3A_265 = tpu.memref_squeeze %dma_start3A_264 : memref<1x128x128xf32, #tpu.memory_space<vmem>> -> memref<128x128xf32, #tpu.memory_space<vmem>>
      %dma_start3A_266 = arith.constant 0 : i32
      %dma_start3A_267 = tpu.memref_slice %arg6[%run_scoped3A_80, %dma_start3A_266] : memref<8x128xi32, #tpu.memory_space<vmem>> -> memref<1x128xi32, #tpu.memory_space<vmem>>
      %dma_start3A_268 = tpu.memref_squeeze %dma_start3A_267 : memref<1x128xi32, #tpu.memory_space<vmem>> -> memref<128xi32, #tpu.memory_space<vmem>>
      %dma_start3A_269 = arith.constant 0 : i32
      %dma_start3A_270 = arith.constant 0 : i32
      %dma_start3A_271 = tpu.memref_slice %arg8[%dma_start3A_269, %dma_start3A_270] : memref<2048x128xf32, #tpu.memory_space<vmem_shared>> -> memref<2048x128xf32, #tpu.memory_space<vmem_shared>>
      tpu.enqueue_indirect_dma source(%dma_start3A_265 : memref<128x128xf32, #tpu.memory_space<vmem>>) target(%dma_start3A_271 : memref<2048x128xf32, #tpu.memory_space<vmem_shared>>) offsets(%dma_start3A_268 : memref<128xi32, #tpu.memory_space<vmem>>) semaphore(%run_scoped3A_261 : memref<!tpu.dma_semaphore, #tpu.memory_space<semaphore_mem>>) {add = true}
      %dma_wait3A_272 = arith.constant 0 : i32
      %dma_wait3A_273 = arith.constant 0 : i32
      %dma_wait3A_274 = tpu.memref_slice %arg7[%run_scoped3A_79, %dma_wait3A_272, %dma_wait3A_273] : memref<2x128x128xf32, #tpu.memory_space<vmem>> -> memref<1x128x128xf32, #tpu.memory_space<vmem>>
      %dma_wait3A_275 = tpu.memref_squeeze %dma_wait3A_274 : memref<1x128x128xf32, #tpu.memory_space<vmem>> -> memref<128x128xf32, #tpu.memory_space<vmem>>
      %dma_wait3A_276 = arith.constant 0 : i32
      %dma_wait3A_277 = tpu.memref_slice %arg6[%run_scoped3A_80, %dma_wait3A_276] : memref<8x128xi32, #tpu.memory_space<vmem>> -> memref<1x128xi32, #tpu.memory_space<vmem>>
      %dma_wait3A_278 = tpu.memref_squeeze %dma_wait3A_277 : memref<1x128xi32, #tpu.memory_space<vmem>> -> memref<128xi32, #tpu.memory_space<vmem>>
      %dma_wait3A_279 = arith.constant 0 : i32
      %dma_wait3A_280 = arith.constant 0 : i32
      %dma_wait3A_281 = tpu.memref_slice %arg8[%dma_wait3A_279, %dma_wait3A_280] : memref<2048x128xf32, #tpu.memory_space<vmem_shared>> -> memref<2048x128xf32, #tpu.memory_space<vmem_shared>>
      tpu.wait_indirect_dma semaphore(%run_scoped3A_261 : memref<!tpu.dma_semaphore, #tpu.memory_space<semaphore_mem>>) src(%dma_wait3A_275 : memref<128x128xf32, #tpu.memory_space<vmem>>) dst(%dma_wait3A_281 : memref<2048x128xf32, #tpu.memory_space<vmem_shared>>)
      tpu.yield
    }) : () -> ()
    %mul3A_81 = arith.constant 1024 : i32
    %mul3A_82 = arith.muli %add3A, %mul3A_81 : i32
    %add3A_83 = arith.constant 384 : i32
    %add3A_84 = arith.addi %mul3A_82, %add3A_83 : i32
    %dma_start3A_85 = arith.constant 1 : i32
    %dma_start3A_86 = arith.constant 0 : i32
    %dma_start3A_87 = arith.constant 0 : i32
    %dma_start3A_88 = tpu.memref_slice %arg7[%dma_start3A_85, %dma_start3A_86, %dma_start3A_87] : memref<2x128x128xf32, #tpu.memory_space<vmem>> -> memref<1x128x128xf32, #tpu.memory_space<vmem>>
    %dma_start3A_89 = tpu.memref_squeeze %dma_start3A_88 : memref<1x128x128xf32, #tpu.memory_space<vmem>> -> memref<128x128xf32, #tpu.memory_space<vmem>>
    %dma_start3A_90 = arith.constant 0 : i32
    %dma_start3A_91 = tpu.memref_slice %arg2[%add3A_84, %dma_start3A_90] : memref<32768x128xf32, #tpu.memory_space<hbm>> -> memref<128x128xf32, #tpu.memory_space<hbm>>
    %dma_start3A_92 = arith.constant 0 : i32
    %dma_start3A_93 = arith.constant 0 : i32
    %dma_start3A_94 = tpu.memref_slice %arg7[%dma_start3A_85, %dma_start3A_92, %dma_start3A_93] : memref<2x128x128xf32, #tpu.memory_space<vmem>> -> memref<1x128x128xf32, #tpu.memory_space<vmem>>
    %dma_start3A_95 = tpu.memref_squeeze %dma_start3A_94 : memref<1x128x128xf32, #tpu.memory_space<vmem>> -> memref<128x128xf32, #tpu.memory_space<vmem>>
    %dma_start3A_96 = arith.constant 0 : i32
    %dma_start3A_97 = tpu.memref_slice %arg2[%add3A_84, %dma_start3A_96] : memref<32768x128xf32, #tpu.memory_space<hbm>> -> memref<128x128xf32, #tpu.memory_space<hbm>>
    tpu.enqueue_dma source(%dma_start3A_97 : memref<128x128xf32, #tpu.memory_space<hbm>>) target(%dma_start3A_95 : memref<128x128xf32, #tpu.memory_space<vmem>>) target_semaphore(%arg10 : memref<!tpu.dma_semaphore, #tpu.memory_space<semaphore_mem>>)
    %dma_wait3A_98 = arith.constant 0 : i32
    %dma_wait3A_99 = arith.constant 0 : i32
    %dma_wait3A_100 = arith.constant 0 : i32
    %dma_wait3A_101 = tpu.memref_slice %arg7[%dma_wait3A_98, %dma_wait3A_99, %dma_wait3A_100] : memref<2x128x128xf32, #tpu.memory_space<vmem>> -> memref<1x128x128xf32, #tpu.memory_space<vmem>>
    %dma_wait3A_102 = tpu.memref_squeeze %dma_wait3A_101 : memref<1x128x128xf32, #tpu.memory_space<vmem>> -> memref<128x128xf32, #tpu.memory_space<vmem>>
    %dma_wait3A_103 = arith.constant 0 : i32
    %dma_wait3A_104 = tpu.memref_slice %arg2[%add3A_52, %dma_wait3A_103] : memref<32768x128xf32, #tpu.memory_space<hbm>> -> memref<128x128xf32, #tpu.memory_space<hbm>>
    %dma_wait3A_105 = arith.constant 0 : i32
    %dma_wait3A_106 = arith.constant 0 : i32
    %dma_wait3A_107 = tpu.memref_slice %arg7[%dma_wait3A_98, %dma_wait3A_105, %dma_wait3A_106] : memref<2x128x128xf32, #tpu.memory_space<vmem>> -> memref<1x128x128xf32, #tpu.memory_space<vmem>>
    %dma_wait3A_108 = tpu.memref_squeeze %dma_wait3A_107 : memref<1x128x128xf32, #tpu.memory_space<vmem>> -> memref<128x128xf32, #tpu.memory_space<vmem>>
    %dma_wait3A_109 = arith.constant 0 : i32
    %dma_wait3A_110 = tpu.memref_slice %arg2[%add3A_52, %dma_wait3A_109] : memref<32768x128xf32, #tpu.memory_space<hbm>> -> memref<128x128xf32, #tpu.memory_space<hbm>>
    tpu.wait_dma2 semaphore(%arg9 : memref<!tpu.dma_semaphore, #tpu.memory_space<semaphore_mem>>) src(%dma_wait3A_110 : memref<128x128xf32, #tpu.memory_space<hbm>>) dst(%dma_wait3A_108 : memref<128x128xf32, #tpu.memory_space<vmem>>)
    %run_scoped3A_111 = arith.constant 0 : i32
    %run_scoped3A_112 = arith.constant 2 : i32
    "tpu.region"() ({
      %run_scoped3A_261 = tpu.sem_alloc : memref<!tpu.dma_semaphore, #tpu.memory_space<semaphore_mem>>
      %dma_start3A_262 = arith.constant 0 : i32
      %dma_start3A_263 = arith.constant 0 : i32
      %dma_start3A_264 = tpu.memref_slice %arg7[%run_scoped3A_111, %dma_start3A_262, %dma_start3A_263] : memref<2x128x128xf32, #tpu.memory_space<vmem>> -> memref<1x128x128xf32, #tpu.memory_space<vmem>>
      %dma_start3A_265 = tpu.memref_squeeze %dma_start3A_264 : memref<1x128x128xf32, #tpu.memory_space<vmem>> -> memref<128x128xf32, #tpu.memory_space<vmem>>
      %dma_start3A_266 = arith.constant 0 : i32
      %dma_start3A_267 = tpu.memref_slice %arg6[%run_scoped3A_112, %dma_start3A_266] : memref<8x128xi32, #tpu.memory_space<vmem>> -> memref<1x128xi32, #tpu.memory_space<vmem>>
      %dma_start3A_268 = tpu.memref_squeeze %dma_start3A_267 : memref<1x128xi32, #tpu.memory_space<vmem>> -> memref<128xi32, #tpu.memory_space<vmem>>
      %dma_start3A_269 = arith.constant 0 : i32
      %dma_start3A_270 = arith.constant 0 : i32
      %dma_start3A_271 = tpu.memref_slice %arg8[%dma_start3A_269, %dma_start3A_270] : memref<2048x128xf32, #tpu.memory_space<vmem_shared>> -> memref<2048x128xf32, #tpu.memory_space<vmem_shared>>
      tpu.enqueue_indirect_dma source(%dma_start3A_265 : memref<128x128xf32, #tpu.memory_space<vmem>>) target(%dma_start3A_271 : memref<2048x128xf32, #tpu.memory_space<vmem_shared>>) offsets(%dma_start3A_268 : memref<128xi32, #tpu.memory_space<vmem>>) semaphore(%run_scoped3A_261 : memref<!tpu.dma_semaphore, #tpu.memory_space<semaphore_mem>>) {add = true}
      %dma_wait3A_272 = arith.constant 0 : i32
      %dma_wait3A_273 = arith.constant 0 : i32
      %dma_wait3A_274 = tpu.memref_slice %arg7[%run_scoped3A_111, %dma_wait3A_272, %dma_wait3A_273] : memref<2x128x128xf32, #tpu.memory_space<vmem>> -> memref<1x128x128xf32, #tpu.memory_space<vmem>>
      %dma_wait3A_275 = tpu.memref_squeeze %dma_wait3A_274 : memref<1x128x128xf32, #tpu.memory_space<vmem>> -> memref<128x128xf32, #tpu.memory_space<vmem>>
      %dma_wait3A_276 = arith.constant 0 : i32
      %dma_wait3A_277 = tpu.memref_slice %arg6[%run_scoped3A_112, %dma_wait3A_276] : memref<8x128xi32, #tpu.memory_space<vmem>> -> memref<1x128xi32, #tpu.memory_space<vmem>>
      %dma_wait3A_278 = tpu.memref_squeeze %dma_wait3A_277 : memref<1x128xi32, #tpu.memory_space<vmem>> -> memref<128xi32, #tpu.memory_space<vmem>>
      %dma_wait3A_279 = arith.constant 0 : i32
      %dma_wait3A_280 = arith.constant 0 : i32
      %dma_wait3A_281 = tpu.memref_slice %arg8[%dma_wait3A_279, %dma_wait3A_280] : memref<2048x128xf32, #tpu.memory_space<vmem_shared>> -> memref<2048x128xf32, #tpu.memory_space<vmem_shared>>
      tpu.wait_indirect_dma semaphore(%run_scoped3A_261 : memref<!tpu.dma_semaphore, #tpu.memory_space<semaphore_mem>>) src(%dma_wait3A_275 : memref<128x128xf32, #tpu.memory_space<vmem>>) dst(%dma_wait3A_281 : memref<2048x128xf32, #tpu.memory_space<vmem_shared>>)
      tpu.yield
    }) : () -> ()
    %mul3A_113 = arith.constant 1024 : i32
    %mul3A_114 = arith.muli %add3A, %mul3A_113 : i32
    %add3A_115 = arith.constant 512 : i32
    %add3A_116 = arith.addi %mul3A_114, %add3A_115 : i32
    %dma_start3A_117 = arith.constant 0 : i32
    %dma_start3A_118 = arith.constant 0 : i32
    %dma_start3A_119 = arith.constant 0 : i32
    %dma_start3A_120 = tpu.memref_slice %arg7[%dma_start3A_117, %dma_start3A_118, %dma_start3A_119] : memref<2x128x128xf32, #tpu.memory_space<vmem>> -> memref<1x128x128xf32, #tpu.memory_space<vmem>>
    %dma_start3A_121 = tpu.memref_squeeze %dma_start3A_120 : memref<1x128x128xf32, #tpu.memory_space<vmem>> -> memref<128x128xf32, #tpu.memory_space<vmem>>
    %dma_start3A_122 = arith.constant 0 : i32
    %dma_start3A_123 = tpu.memref_slice %arg2[%add3A_116, %dma_start3A_122] : memref<32768x128xf32, #tpu.memory_space<hbm>> -> memref<128x128xf32, #tpu.memory_space<hbm>>
    %dma_start3A_124 = arith.constant 0 : i32
    %dma_start3A_125 = arith.constant 0 : i32
    %dma_start3A_126 = tpu.memref_slice %arg7[%dma_start3A_117, %dma_start3A_124, %dma_start3A_125] : memref<2x128x128xf32, #tpu.memory_space<vmem>> -> memref<1x128x128xf32, #tpu.memory_space<vmem>>
    %dma_start3A_127 = tpu.memref_squeeze %dma_start3A_126 : memref<1x128x128xf32, #tpu.memory_space<vmem>> -> memref<128x128xf32, #tpu.memory_space<vmem>>
    %dma_start3A_128 = arith.constant 0 : i32
    %dma_start3A_129 = tpu.memref_slice %arg2[%add3A_116, %dma_start3A_128] : memref<32768x128xf32, #tpu.memory_space<hbm>> -> memref<128x128xf32, #tpu.memory_space<hbm>>
    tpu.enqueue_dma source(%dma_start3A_129 : memref<128x128xf32, #tpu.memory_space<hbm>>) target(%dma_start3A_127 : memref<128x128xf32, #tpu.memory_space<vmem>>) target_semaphore(%arg9 : memref<!tpu.dma_semaphore, #tpu.memory_space<semaphore_mem>>)
    %dma_wait3A_130 = arith.constant 1 : i32
    %dma_wait3A_131 = arith.constant 0 : i32
    %dma_wait3A_132 = arith.constant 0 : i32
    %dma_wait3A_133 = tpu.memref_slice %arg7[%dma_wait3A_130, %dma_wait3A_131, %dma_wait3A_132] : memref<2x128x128xf32, #tpu.memory_space<vmem>> -> memref<1x128x128xf32, #tpu.memory_space<vmem>>
    %dma_wait3A_134 = tpu.memref_squeeze %dma_wait3A_133 : memref<1x128x128xf32, #tpu.memory_space<vmem>> -> memref<128x128xf32, #tpu.memory_space<vmem>>
    %dma_wait3A_135 = arith.constant 0 : i32
    %dma_wait3A_136 = tpu.memref_slice %arg2[%add3A_84, %dma_wait3A_135] : memref<32768x128xf32, #tpu.memory_space<hbm>> -> memref<128x128xf32, #tpu.memory_space<hbm>>
    %dma_wait3A_137 = arith.constant 0 : i32
    %dma_wait3A_138 = arith.constant 0 : i32
    %dma_wait3A_139 = tpu.memref_slice %arg7[%dma_wait3A_130, %dma_wait3A_137, %dma_wait3A_138] : memref<2x128x128xf32, #tpu.memory_space<vmem>> -> memref<1x128x128xf32, #tpu.memory_space<vmem>>
    %dma_wait3A_140 = tpu.memref_squeeze %dma_wait3A_139 : memref<1x128x128xf32, #tpu.memory_space<vmem>> -> memref<128x128xf32, #tpu.memory_space<vmem>>
    %dma_wait3A_141 = arith.constant 0 : i32
    %dma_wait3A_142 = tpu.memref_slice %arg2[%add3A_84, %dma_wait3A_141] : memref<32768x128xf32, #tpu.memory_space<hbm>> -> memref<128x128xf32, #tpu.memory_space<hbm>>
    tpu.wait_dma2 semaphore(%arg10 : memref<!tpu.dma_semaphore, #tpu.memory_space<semaphore_mem>>) src(%dma_wait3A_142 : memref<128x128xf32, #tpu.memory_space<hbm>>) dst(%dma_wait3A_140 : memref<128x128xf32, #tpu.memory_space<vmem>>)
    %run_scoped3A_143 = arith.constant 1 : i32
    %run_scoped3A_144 = arith.constant 3 : i32
    "tpu.region"() ({
      %run_scoped3A_261 = tpu.sem_alloc : memref<!tpu.dma_semaphore, #tpu.memory_space<semaphore_mem>>
      %dma_start3A_262 = arith.constant 0 : i32
      %dma_start3A_263 = arith.constant 0 : i32
      %dma_start3A_264 = tpu.memref_slice %arg7[%run_scoped3A_143, %dma_start3A_262, %dma_start3A_263] : memref<2x128x128xf32, #tpu.memory_space<vmem>> -> memref<1x128x128xf32, #tpu.memory_space<vmem>>
      %dma_start3A_265 = tpu.memref_squeeze %dma_start3A_264 : memref<1x128x128xf32, #tpu.memory_space<vmem>> -> memref<128x128xf32, #tpu.memory_space<vmem>>
      %dma_start3A_266 = arith.constant 0 : i32
      %dma_start3A_267 = tpu.memref_slice %arg6[%run_scoped3A_144, %dma_start3A_266] : memref<8x128xi32, #tpu.memory_space<vmem>> -> memref<1x128xi32, #tpu.memory_space<vmem>>
      %dma_start3A_268 = tpu.memref_squeeze %dma_start3A_267 : memref<1x128xi32, #tpu.memory_space<vmem>> -> memref<128xi32, #tpu.memory_space<vmem>>
      %dma_start3A_269 = arith.constant 0 : i32
      %dma_start3A_270 = arith.constant 0 : i32
      %dma_start3A_271 = tpu.memref_slice %arg8[%dma_start3A_269, %dma_start3A_270] : memref<2048x128xf32, #tpu.memory_space<vmem_shared>> -> memref<2048x128xf32, #tpu.memory_space<vmem_shared>>
      tpu.enqueue_indirect_dma source(%dma_start3A_265 : memref<128x128xf32, #tpu.memory_space<vmem>>) target(%dma_start3A_271 : memref<2048x128xf32, #tpu.memory_space<vmem_shared>>) offsets(%dma_start3A_268 : memref<128xi32, #tpu.memory_space<vmem>>) semaphore(%run_scoped3A_261 : memref<!tpu.dma_semaphore, #tpu.memory_space<semaphore_mem>>) {add = true}
      %dma_wait3A_272 = arith.constant 0 : i32
      %dma_wait3A_273 = arith.constant 0 : i32
      %dma_wait3A_274 = tpu.memref_slice %arg7[%run_scoped3A_143, %dma_wait3A_272, %dma_wait3A_273] : memref<2x128x128xf32, #tpu.memory_space<vmem>> -> memref<1x128x128xf32, #tpu.memory_space<vmem>>
      %dma_wait3A_275 = tpu.memref_squeeze %dma_wait3A_274 : memref<1x128x128xf32, #tpu.memory_space<vmem>> -> memref<128x128xf32, #tpu.memory_space<vmem>>
      %dma_wait3A_276 = arith.constant 0 : i32
      %dma_wait3A_277 = tpu.memref_slice %arg6[%run_scoped3A_144, %dma_wait3A_276] : memref<8x128xi32, #tpu.memory_space<vmem>> -> memref<1x128xi32, #tpu.memory_space<vmem>>
      %dma_wait3A_278 = tpu.memref_squeeze %dma_wait3A_277 : memref<1x128xi32, #tpu.memory_space<vmem>> -> memref<128xi32, #tpu.memory_space<vmem>>
      %dma_wait3A_279 = arith.constant 0 : i32
      %dma_wait3A_280 = arith.constant 0 : i32
      %dma_wait3A_281 = tpu.memref_slice %arg8[%dma_wait3A_279, %dma_wait3A_280] : memref<2048x128xf32, #tpu.memory_space<vmem_shared>> -> memref<2048x128xf32, #tpu.memory_space<vmem_shared>>
      tpu.wait_indirect_dma semaphore(%run_scoped3A_261 : memref<!tpu.dma_semaphore, #tpu.memory_space<semaphore_mem>>) src(%dma_wait3A_275 : memref<128x128xf32, #tpu.memory_space<vmem>>) dst(%dma_wait3A_281 : memref<2048x128xf32, #tpu.memory_space<vmem_shared>>)
      tpu.yield
    }) : () -> ()
    %mul3A_145 = arith.constant 1024 : i32
    %mul3A_146 = arith.muli %add3A, %mul3A_145 : i32
    %add3A_147 = arith.constant 640 : i32
    %add3A_148 = arith.addi %mul3A_146, %add3A_147 : i32
    %dma_start3A_149 = arith.constant 1 : i32
    %dma_start3A_150 = arith.constant 0 : i32
    %dma_start3A_151 = arith.constant 0 : i32
    %dma_start3A_152 = tpu.memref_slice %arg7[%dma_start3A_149, %dma_start3A_150, %dma_start3A_151] : memref<2x128x128xf32, #tpu.memory_space<vmem>> -> memref<1x128x128xf32, #tpu.memory_space<vmem>>
    %dma_start3A_153 = tpu.memref_squeeze %dma_start3A_152 : memref<1x128x128xf32, #tpu.memory_space<vmem>> -> memref<128x128xf32, #tpu.memory_space<vmem>>
    %dma_start3A_154 = arith.constant 0 : i32
    %dma_start3A_155 = tpu.memref_slice %arg2[%add3A_148, %dma_start3A_154] : memref<32768x128xf32, #tpu.memory_space<hbm>> -> memref<128x128xf32, #tpu.memory_space<hbm>>
    %dma_start3A_156 = arith.constant 0 : i32
    %dma_start3A_157 = arith.constant 0 : i32
    %dma_start3A_158 = tpu.memref_slice %arg7[%dma_start3A_149, %dma_start3A_156, %dma_start3A_157] : memref<2x128x128xf32, #tpu.memory_space<vmem>> -> memref<1x128x128xf32, #tpu.memory_space<vmem>>
    %dma_start3A_159 = tpu.memref_squeeze %dma_start3A_158 : memref<1x128x128xf32, #tpu.memory_space<vmem>> -> memref<128x128xf32, #tpu.memory_space<vmem>>
    %dma_start3A_160 = arith.constant 0 : i32
    %dma_start3A_161 = tpu.memref_slice %arg2[%add3A_148, %dma_start3A_160] : memref<32768x128xf32, #tpu.memory_space<hbm>> -> memref<128x128xf32, #tpu.memory_space<hbm>>
    tpu.enqueue_dma source(%dma_start3A_161 : memref<128x128xf32, #tpu.memory_space<hbm>>) target(%dma_start3A_159 : memref<128x128xf32, #tpu.memory_space<vmem>>) target_semaphore(%arg10 : memref<!tpu.dma_semaphore, #tpu.memory_space<semaphore_mem>>)
    %dma_wait3A_162 = arith.constant 0 : i32
    %dma_wait3A_163 = arith.constant 0 : i32
    %dma_wait3A_164 = arith.constant 0 : i32
    %dma_wait3A_165 = tpu.memref_slice %arg7[%dma_wait3A_162, %dma_wait3A_163, %dma_wait3A_164] : memref<2x128x128xf32, #tpu.memory_space<vmem>> -> memref<1x128x128xf32, #tpu.memory_space<vmem>>
    %dma_wait3A_166 = tpu.memref_squeeze %dma_wait3A_165 : memref<1x128x128xf32, #tpu.memory_space<vmem>> -> memref<128x128xf32, #tpu.memory_space<vmem>>
    %dma_wait3A_167 = arith.constant 0 : i32
    %dma_wait3A_168 = tpu.memref_slice %arg2[%add3A_116, %dma_wait3A_167] : memref<32768x128xf32, #tpu.memory_space<hbm>> -> memref<128x128xf32, #tpu.memory_space<hbm>>
    %dma_wait3A_169 = arith.constant 0 : i32
    %dma_wait3A_170 = arith.constant 0 : i32
    %dma_wait3A_171 = tpu.memref_slice %arg7[%dma_wait3A_162, %dma_wait3A_169, %dma_wait3A_170] : memref<2x128x128xf32, #tpu.memory_space<vmem>> -> memref<1x128x128xf32, #tpu.memory_space<vmem>>
    %dma_wait3A_172 = tpu.memref_squeeze %dma_wait3A_171 : memref<1x128x128xf32, #tpu.memory_space<vmem>> -> memref<128x128xf32, #tpu.memory_space<vmem>>
    %dma_wait3A_173 = arith.constant 0 : i32
    %dma_wait3A_174 = tpu.memref_slice %arg2[%add3A_116, %dma_wait3A_173] : memref<32768x128xf32, #tpu.memory_space<hbm>> -> memref<128x128xf32, #tpu.memory_space<hbm>>
    tpu.wait_dma2 semaphore(%arg9 : memref<!tpu.dma_semaphore, #tpu.memory_space<semaphore_mem>>) src(%dma_wait3A_174 : memref<128x128xf32, #tpu.memory_space<hbm>>) dst(%dma_wait3A_172 : memref<128x128xf32, #tpu.memory_space<vmem>>)
    %run_scoped3A_175 = arith.constant 0 : i32
    %run_scoped3A_176 = arith.constant 4 : i32
    "tpu.region"() ({
      %run_scoped3A_261 = tpu.sem_alloc : memref<!tpu.dma_semaphore, #tpu.memory_space<semaphore_mem>>
      %dma_start3A_262 = arith.constant 0 : i32
      %dma_start3A_263 = arith.constant 0 : i32
      %dma_start3A_264 = tpu.memref_slice %arg7[%run_scoped3A_175, %dma_start3A_262, %dma_start3A_263] : memref<2x128x128xf32, #tpu.memory_space<vmem>> -> memref<1x128x128xf32, #tpu.memory_space<vmem>>
      %dma_start3A_265 = tpu.memref_squeeze %dma_start3A_264 : memref<1x128x128xf32, #tpu.memory_space<vmem>> -> memref<128x128xf32, #tpu.memory_space<vmem>>
      %dma_start3A_266 = arith.constant 0 : i32
      %dma_start3A_267 = tpu.memref_slice %arg6[%run_scoped3A_176, %dma_start3A_266] : memref<8x128xi32, #tpu.memory_space<vmem>> -> memref<1x128xi32, #tpu.memory_space<vmem>>
      %dma_start3A_268 = tpu.memref_squeeze %dma_start3A_267 : memref<1x128xi32, #tpu.memory_space<vmem>> -> memref<128xi32, #tpu.memory_space<vmem>>
      %dma_start3A_269 = arith.constant 0 : i32
      %dma_start3A_270 = arith.constant 0 : i32
      %dma_start3A_271 = tpu.memref_slice %arg8[%dma_start3A_269, %dma_start3A_270] : memref<2048x128xf32, #tpu.memory_space<vmem_shared>> -> memref<2048x128xf32, #tpu.memory_space<vmem_shared>>
      tpu.enqueue_indirect_dma source(%dma_start3A_265 : memref<128x128xf32, #tpu.memory_space<vmem>>) target(%dma_start3A_271 : memref<2048x128xf32, #tpu.memory_space<vmem_shared>>) offsets(%dma_start3A_268 : memref<128xi32, #tpu.memory_space<vmem>>) semaphore(%run_scoped3A_261 : memref<!tpu.dma_semaphore, #tpu.memory_space<semaphore_mem>>) {add = true}
      %dma_wait3A_272 = arith.constant 0 : i32
      %dma_wait3A_273 = arith.constant 0 : i32
      %dma_wait3A_274 = tpu.memref_slice %arg7[%run_scoped3A_175, %dma_wait3A_272, %dma_wait3A_273] : memref<2x128x128xf32, #tpu.memory_space<vmem>> -> memref<1x128x128xf32, #tpu.memory_space<vmem>>
      %dma_wait3A_275 = tpu.memref_squeeze %dma_wait3A_274 : memref<1x128x128xf32, #tpu.memory_space<vmem>> -> memref<128x128xf32, #tpu.memory_space<vmem>>
      %dma_wait3A_276 = arith.constant 0 : i32
      %dma_wait3A_277 = tpu.memref_slice %arg6[%run_scoped3A_176, %dma_wait3A_276] : memref<8x128xi32, #tpu.memory_space<vmem>> -> memref<1x128xi32, #tpu.memory_space<vmem>>
      %dma_wait3A_278 = tpu.memref_squeeze %dma_wait3A_277 : memref<1x128xi32, #tpu.memory_space<vmem>> -> memref<128xi32, #tpu.memory_space<vmem>>
      %dma_wait3A_279 = arith.constant 0 : i32
      %dma_wait3A_280 = arith.constant 0 : i32
      %dma_wait3A_281 = tpu.memref_slice %arg8[%dma_wait3A_279, %dma_wait3A_280] : memref<2048x128xf32, #tpu.memory_space<vmem_shared>> -> memref<2048x128xf32, #tpu.memory_space<vmem_shared>>
      tpu.wait_indirect_dma semaphore(%run_scoped3A_261 : memref<!tpu.dma_semaphore, #tpu.memory_space<semaphore_mem>>) src(%dma_wait3A_275 : memref<128x128xf32, #tpu.memory_space<vmem>>) dst(%dma_wait3A_281 : memref<2048x128xf32, #tpu.memory_space<vmem_shared>>)
      tpu.yield
    }) : () -> ()
    %mul3A_177 = arith.constant 1024 : i32
    %mul3A_178 = arith.muli %add3A, %mul3A_177 : i32
    %add3A_179 = arith.constant 768 : i32
    %add3A_180 = arith.addi %mul3A_178, %add3A_179 : i32
    %dma_start3A_181 = arith.constant 0 : i32
    %dma_start3A_182 = arith.constant 0 : i32
    %dma_start3A_183 = arith.constant 0 : i32
    %dma_start3A_184 = tpu.memref_slice %arg7[%dma_start3A_181, %dma_start3A_182, %dma_start3A_183] : memref<2x128x128xf32, #tpu.memory_space<vmem>> -> memref<1x128x128xf32, #tpu.memory_space<vmem>>
    %dma_start3A_185 = tpu.memref_squeeze %dma_start3A_184 : memref<1x128x128xf32, #tpu.memory_space<vmem>> -> memref<128x128xf32, #tpu.memory_space<vmem>>
    %dma_start3A_186 = arith.constant 0 : i32
    %dma_start3A_187 = tpu.memref_slice %arg2[%add3A_180, %dma_start3A_186] : memref<32768x128xf32, #tpu.memory_space<hbm>> -> memref<128x128xf32, #tpu.memory_space<hbm>>
    %dma_start3A_188 = arith.constant 0 : i32
    %dma_start3A_189 = arith.constant 0 : i32
    %dma_start3A_190 = tpu.memref_slice %arg7[%dma_start3A_181, %dma_start3A_188, %dma_start3A_189] : memref<2x128x128xf32, #tpu.memory_space<vmem>> -> memref<1x128x128xf32, #tpu.memory_space<vmem>>
    %dma_start3A_191 = tpu.memref_squeeze %dma_start3A_190 : memref<1x128x128xf32, #tpu.memory_space<vmem>> -> memref<128x128xf32, #tpu.memory_space<vmem>>
    %dma_start3A_192 = arith.constant 0 : i32
    %dma_start3A_193 = tpu.memref_slice %arg2[%add3A_180, %dma_start3A_192] : memref<32768x128xf32, #tpu.memory_space<hbm>> -> memref<128x128xf32, #tpu.memory_space<hbm>>
    tpu.enqueue_dma source(%dma_start3A_193 : memref<128x128xf32, #tpu.memory_space<hbm>>) target(%dma_start3A_191 : memref<128x128xf32, #tpu.memory_space<vmem>>) target_semaphore(%arg9 : memref<!tpu.dma_semaphore, #tpu.memory_space<semaphore_mem>>)
    %dma_wait3A_194 = arith.constant 1 : i32
    %dma_wait3A_195 = arith.constant 0 : i32
    %dma_wait3A_196 = arith.constant 0 : i32
    %dma_wait3A_197 = tpu.memref_slice %arg7[%dma_wait3A_194, %dma_wait3A_195, %dma_wait3A_196] : memref<2x128x128xf32, #tpu.memory_space<vmem>> -> memref<1x128x128xf32, #tpu.memory_space<vmem>>
    %dma_wait3A_198 = tpu.memref_squeeze %dma_wait3A_197 : memref<1x128x128xf32, #tpu.memory_space<vmem>> -> memref<128x128xf32, #tpu.memory_space<vmem>>
    %dma_wait3A_199 = arith.constant 0 : i32
    %dma_wait3A_200 = tpu.memref_slice %arg2[%add3A_148, %dma_wait3A_199] : memref<32768x128xf32, #tpu.memory_space<hbm>> -> memref<128x128xf32, #tpu.memory_space<hbm>>
    %dma_wait3A_201 = arith.constant 0 : i32
    %dma_wait3A_202 = arith.constant 0 : i32
    %dma_wait3A_203 = tpu.memref_slice %arg7[%dma_wait3A_194, %dma_wait3A_201, %dma_wait3A_202] : memref<2x128x128xf32, #tpu.memory_space<vmem>> -> memref<1x128x128xf32, #tpu.memory_space<vmem>>
    %dma_wait3A_204 = tpu.memref_squeeze %dma_wait3A_203 : memref<1x128x128xf32, #tpu.memory_space<vmem>> -> memref<128x128xf32, #tpu.memory_space<vmem>>
    %dma_wait3A_205 = arith.constant 0 : i32
    %dma_wait3A_206 = tpu.memref_slice %arg2[%add3A_148, %dma_wait3A_205] : memref<32768x128xf32, #tpu.memory_space<hbm>> -> memref<128x128xf32, #tpu.memory_space<hbm>>
    tpu.wait_dma2 semaphore(%arg10 : memref<!tpu.dma_semaphore, #tpu.memory_space<semaphore_mem>>) src(%dma_wait3A_206 : memref<128x128xf32, #tpu.memory_space<hbm>>) dst(%dma_wait3A_204 : memref<128x128xf32, #tpu.memory_space<vmem>>)
    %run_scoped3A_207 = arith.constant 1 : i32
    %run_scoped3A_208 = arith.constant 5 : i32
    "tpu.region"() ({
      %run_scoped3A_261 = tpu.sem_alloc : memref<!tpu.dma_semaphore, #tpu.memory_space<semaphore_mem>>
      %dma_start3A_262 = arith.constant 0 : i32
      %dma_start3A_263 = arith.constant 0 : i32
      %dma_start3A_264 = tpu.memref_slice %arg7[%run_scoped3A_207, %dma_start3A_262, %dma_start3A_263] : memref<2x128x128xf32, #tpu.memory_space<vmem>> -> memref<1x128x128xf32, #tpu.memory_space<vmem>>
      %dma_start3A_265 = tpu.memref_squeeze %dma_start3A_264 : memref<1x128x128xf32, #tpu.memory_space<vmem>> -> memref<128x128xf32, #tpu.memory_space<vmem>>
      %dma_start3A_266 = arith.constant 0 : i32
      %dma_start3A_267 = tpu.memref_slice %arg6[%run_scoped3A_208, %dma_start3A_266] : memref<8x128xi32, #tpu.memory_space<vmem>> -> memref<1x128xi32, #tpu.memory_space<vmem>>
      %dma_start3A_268 = tpu.memref_squeeze %dma_start3A_267 : memref<1x128xi32, #tpu.memory_space<vmem>> -> memref<128xi32, #tpu.memory_space<vmem>>
      %dma_start3A_269 = arith.constant 0 : i32
      %dma_start3A_270 = arith.constant 0 : i32
      %dma_start3A_271 = tpu.memref_slice %arg8[%dma_start3A_269, %dma_start3A_270] : memref<2048x128xf32, #tpu.memory_space<vmem_shared>> -> memref<2048x128xf32, #tpu.memory_space<vmem_shared>>
      tpu.enqueue_indirect_dma source(%dma_start3A_265 : memref<128x128xf32, #tpu.memory_space<vmem>>) target(%dma_start3A_271 : memref<2048x128xf32, #tpu.memory_space<vmem_shared>>) offsets(%dma_start3A_268 : memref<128xi32, #tpu.memory_space<vmem>>) semaphore(%run_scoped3A_261 : memref<!tpu.dma_semaphore, #tpu.memory_space<semaphore_mem>>) {add = true}
      %dma_wait3A_272 = arith.constant 0 : i32
      %dma_wait3A_273 = arith.constant 0 : i32
      %dma_wait3A_274 = tpu.memref_slice %arg7[%run_scoped3A_207, %dma_wait3A_272, %dma_wait3A_273] : memref<2x128x128xf32, #tpu.memory_space<vmem>> -> memref<1x128x128xf32, #tpu.memory_space<vmem>>
      %dma_wait3A_275 = tpu.memref_squeeze %dma_wait3A_274 : memref<1x128x128xf32, #tpu.memory_space<vmem>> -> memref<128x128xf32, #tpu.memory_space<vmem>>
      %dma_wait3A_276 = arith.constant 0 : i32
      %dma_wait3A_277 = tpu.memref_slice %arg6[%run_scoped3A_208, %dma_wait3A_276] : memref<8x128xi32, #tpu.memory_space<vmem>> -> memref<1x128xi32, #tpu.memory_space<vmem>>
      %dma_wait3A_278 = tpu.memref_squeeze %dma_wait3A_277 : memref<1x128xi32, #tpu.memory_space<vmem>> -> memref<128xi32, #tpu.memory_space<vmem>>
      %dma_wait3A_279 = arith.constant 0 : i32
      %dma_wait3A_280 = arith.constant 0 : i32
      %dma_wait3A_281 = tpu.memref_slice %arg8[%dma_wait3A_279, %dma_wait3A_280] : memref<2048x128xf32, #tpu.memory_space<vmem_shared>> -> memref<2048x128xf32, #tpu.memory_space<vmem_shared>>
      tpu.wait_indirect_dma semaphore(%run_scoped3A_261 : memref<!tpu.dma_semaphore, #tpu.memory_space<semaphore_mem>>) src(%dma_wait3A_275 : memref<128x128xf32, #tpu.memory_space<vmem>>) dst(%dma_wait3A_281 : memref<2048x128xf32, #tpu.memory_space<vmem_shared>>)
      tpu.yield
    }) : () -> ()
    %mul3A_209 = arith.constant 1024 : i32
    %mul3A_210 = arith.muli %add3A, %mul3A_209 : i32
    %add3A_211 = arith.constant 896 : i32
    %add3A_212 = arith.addi %mul3A_210, %add3A_211 : i32
    %dma_start3A_213 = arith.constant 1 : i32
    %dma_start3A_214 = arith.constant 0 : i32
    %dma_start3A_215 = arith.constant 0 : i32
    %dma_start3A_216 = tpu.memref_slice %arg7[%dma_start3A_213, %dma_start3A_214, %dma_start3A_215] : memref<2x128x128xf32, #tpu.memory_space<vmem>> -> memref<1x128x128xf32, #tpu.memory_space<vmem>>
    %dma_start3A_217 = tpu.memref_squeeze %dma_start3A_216 : memref<1x128x128xf32, #tpu.memory_space<vmem>> -> memref<128x128xf32, #tpu.memory_space<vmem>>
    %dma_start3A_218 = arith.constant 0 : i32
    %dma_start3A_219 = tpu.memref_slice %arg2[%add3A_212, %dma_start3A_218] : memref<32768x128xf32, #tpu.memory_space<hbm>> -> memref<128x128xf32, #tpu.memory_space<hbm>>
    %dma_start3A_220 = arith.constant 0 : i32
    %dma_start3A_221 = arith.constant 0 : i32
    %dma_start3A_222 = tpu.memref_slice %arg7[%dma_start3A_213, %dma_start3A_220, %dma_start3A_221] : memref<2x128x128xf32, #tpu.memory_space<vmem>> -> memref<1x128x128xf32, #tpu.memory_space<vmem>>
    %dma_start3A_223 = tpu.memref_squeeze %dma_start3A_222 : memref<1x128x128xf32, #tpu.memory_space<vmem>> -> memref<128x128xf32, #tpu.memory_space<vmem>>
    %dma_start3A_224 = arith.constant 0 : i32
    %dma_start3A_225 = tpu.memref_slice %arg2[%add3A_212, %dma_start3A_224] : memref<32768x128xf32, #tpu.memory_space<hbm>> -> memref<128x128xf32, #tpu.memory_space<hbm>>
    tpu.enqueue_dma source(%dma_start3A_225 : memref<128x128xf32, #tpu.memory_space<hbm>>) target(%dma_start3A_223 : memref<128x128xf32, #tpu.memory_space<vmem>>) target_semaphore(%arg10 : memref<!tpu.dma_semaphore, #tpu.memory_space<semaphore_mem>>)
    %dma_wait3A_226 = arith.constant 0 : i32
    %dma_wait3A_227 = arith.constant 0 : i32
    %dma_wait3A_228 = arith.constant 0 : i32
    %dma_wait3A_229 = tpu.memref_slice %arg7[%dma_wait3A_226, %dma_wait3A_227, %dma_wait3A_228] : memref<2x128x128xf32, #tpu.memory_space<vmem>> -> memref<1x128x128xf32, #tpu.memory_space<vmem>>
    %dma_wait3A_230 = tpu.memref_squeeze %dma_wait3A_229 : memref<1x128x128xf32, #tpu.memory_space<vmem>> -> memref<128x128xf32, #tpu.memory_space<vmem>>
    %dma_wait3A_231 = arith.constant 0 : i32
    %dma_wait3A_232 = tpu.memref_slice %arg2[%add3A_180, %dma_wait3A_231] : memref<32768x128xf32, #tpu.memory_space<hbm>> -> memref<128x128xf32, #tpu.memory_space<hbm>>
    %dma_wait3A_233 = arith.constant 0 : i32
    %dma_wait3A_234 = arith.constant 0 : i32
    %dma_wait3A_235 = tpu.memref_slice %arg7[%dma_wait3A_226, %dma_wait3A_233, %dma_wait3A_234] : memref<2x128x128xf32, #tpu.memory_space<vmem>> -> memref<1x128x128xf32, #tpu.memory_space<vmem>>
    %dma_wait3A_236 = tpu.memref_squeeze %dma_wait3A_235 : memref<1x128x128xf32, #tpu.memory_space<vmem>> -> memref<128x128xf32, #tpu.memory_space<vmem>>
    %dma_wait3A_237 = arith.constant 0 : i32
    %dma_wait3A_238 = tpu.memref_slice %arg2[%add3A_180, %dma_wait3A_237] : memref<32768x128xf32, #tpu.memory_space<hbm>> -> memref<128x128xf32, #tpu.memory_space<hbm>>
    tpu.wait_dma2 semaphore(%arg9 : memref<!tpu.dma_semaphore, #tpu.memory_space<semaphore_mem>>) src(%dma_wait3A_238 : memref<128x128xf32, #tpu.memory_space<hbm>>) dst(%dma_wait3A_236 : memref<128x128xf32, #tpu.memory_space<vmem>>)
    %run_scoped3A_239 = arith.constant 0 : i32
    %run_scoped3A_240 = arith.constant 6 : i32
    "tpu.region"() ({
      %run_scoped3A_261 = tpu.sem_alloc : memref<!tpu.dma_semaphore, #tpu.memory_space<semaphore_mem>>
      %dma_start3A_262 = arith.constant 0 : i32
      %dma_start3A_263 = arith.constant 0 : i32
      %dma_start3A_264 = tpu.memref_slice %arg7[%run_scoped3A_239, %dma_start3A_262, %dma_start3A_263] : memref<2x128x128xf32, #tpu.memory_space<vmem>> -> memref<1x128x128xf32, #tpu.memory_space<vmem>>
      %dma_start3A_265 = tpu.memref_squeeze %dma_start3A_264 : memref<1x128x128xf32, #tpu.memory_space<vmem>> -> memref<128x128xf32, #tpu.memory_space<vmem>>
      %dma_start3A_266 = arith.constant 0 : i32
      %dma_start3A_267 = tpu.memref_slice %arg6[%run_scoped3A_240, %dma_start3A_266] : memref<8x128xi32, #tpu.memory_space<vmem>> -> memref<1x128xi32, #tpu.memory_space<vmem>>
      %dma_start3A_268 = tpu.memref_squeeze %dma_start3A_267 : memref<1x128xi32, #tpu.memory_space<vmem>> -> memref<128xi32, #tpu.memory_space<vmem>>
      %dma_start3A_269 = arith.constant 0 : i32
      %dma_start3A_270 = arith.constant 0 : i32
      %dma_start3A_271 = tpu.memref_slice %arg8[%dma_start3A_269, %dma_start3A_270] : memref<2048x128xf32, #tpu.memory_space<vmem_shared>> -> memref<2048x128xf32, #tpu.memory_space<vmem_shared>>
      tpu.enqueue_indirect_dma source(%dma_start3A_265 : memref<128x128xf32, #tpu.memory_space<vmem>>) target(%dma_start3A_271 : memref<2048x128xf32, #tpu.memory_space<vmem_shared>>) offsets(%dma_start3A_268 : memref<128xi32, #tpu.memory_space<vmem>>) semaphore(%run_scoped3A_261 : memref<!tpu.dma_semaphore, #tpu.memory_space<semaphore_mem>>) {add = true}
      %dma_wait3A_272 = arith.constant 0 : i32
      %dma_wait3A_273 = arith.constant 0 : i32
      %dma_wait3A_274 = tpu.memref_slice %arg7[%run_scoped3A_239, %dma_wait3A_272, %dma_wait3A_273] : memref<2x128x128xf32, #tpu.memory_space<vmem>> -> memref<1x128x128xf32, #tpu.memory_space<vmem>>
      %dma_wait3A_275 = tpu.memref_squeeze %dma_wait3A_274 : memref<1x128x128xf32, #tpu.memory_space<vmem>> -> memref<128x128xf32, #tpu.memory_space<vmem>>
      %dma_wait3A_276 = arith.constant 0 : i32
      %dma_wait3A_277 = tpu.memref_slice %arg6[%run_scoped3A_240, %dma_wait3A_276] : memref<8x128xi32, #tpu.memory_space<vmem>> -> memref<1x128xi32, #tpu.memory_space<vmem>>
      %dma_wait3A_278 = tpu.memref_squeeze %dma_wait3A_277 : memref<1x128xi32, #tpu.memory_space<vmem>> -> memref<128xi32, #tpu.memory_space<vmem>>
      %dma_wait3A_279 = arith.constant 0 : i32
      %dma_wait3A_280 = arith.constant 0 : i32
      %dma_wait3A_281 = tpu.memref_slice %arg8[%dma_wait3A_279, %dma_wait3A_280] : memref<2048x128xf32, #tpu.memory_space<vmem_shared>> -> memref<2048x128xf32, #tpu.memory_space<vmem_shared>>
      tpu.wait_indirect_dma semaphore(%run_scoped3A_261 : memref<!tpu.dma_semaphore, #tpu.memory_space<semaphore_mem>>) src(%dma_wait3A_275 : memref<128x128xf32, #tpu.memory_space<vmem>>) dst(%dma_wait3A_281 : memref<2048x128xf32, #tpu.memory_space<vmem_shared>>)
      tpu.yield
    }) : () -> ()
    %dma_wait3A_241 = arith.constant 1 : i32
    %dma_wait3A_242 = arith.constant 0 : i32
    %dma_wait3A_243 = arith.constant 0 : i32
    %dma_wait3A_244 = tpu.memref_slice %arg7[%dma_wait3A_241, %dma_wait3A_242, %dma_wait3A_243] : memref<2x128x128xf32, #tpu.memory_space<vmem>> -> memref<1x128x128xf32, #tpu.memory_space<vmem>>
    %dma_wait3A_245 = tpu.memref_squeeze %dma_wait3A_244 : memref<1x128x128xf32, #tpu.memory_space<vmem>> -> memref<128x128xf32, #tpu.memory_space<vmem>>
    %dma_wait3A_246 = arith.constant 0 : i32
    %dma_wait3A_247 = tpu.memref_slice %arg2[%add3A_212, %dma_wait3A_246] : memref<32768x128xf32, #tpu.memory_space<hbm>> -> memref<128x128xf32, #tpu.memory_space<hbm>>
    %dma_wait3A_248 = arith.constant 0 : i32
    %dma_wait3A_249 = arith.constant 0 : i32
    %dma_wait3A_250 = tpu.memref_slice %arg7[%dma_wait3A_241, %dma_wait3A_248, %dma_wait3A_249] : memref<2x128x128xf32, #tpu.memory_space<vmem>> -> memref<1x128x128xf32, #tpu.memory_space<vmem>>
    %dma_wait3A_251 = tpu.memref_squeeze %dma_wait3A_250 : memref<1x128x128xf32, #tpu.memory_space<vmem>> -> memref<128x128xf32, #tpu.memory_space<vmem>>
    %dma_wait3A_252 = arith.constant 0 : i32
    %dma_wait3A_253 = tpu.memref_slice %arg2[%add3A_212, %dma_wait3A_252] : memref<32768x128xf32, #tpu.memory_space<hbm>> -> memref<128x128xf32, #tpu.memory_space<hbm>>
    tpu.wait_dma2 semaphore(%arg10 : memref<!tpu.dma_semaphore, #tpu.memory_space<semaphore_mem>>) src(%dma_wait3A_253 : memref<128x128xf32, #tpu.memory_space<hbm>>) dst(%dma_wait3A_251 : memref<128x128xf32, #tpu.memory_space<vmem>>)
    %run_scoped3A_254 = arith.constant 1 : i32
    %run_scoped3A_255 = arith.constant 7 : i32
    "tpu.region"() ({
      %run_scoped3A_261 = tpu.sem_alloc : memref<!tpu.dma_semaphore, #tpu.memory_space<semaphore_mem>>
      %dma_start3A_262 = arith.constant 0 : i32
      %dma_start3A_263 = arith.constant 0 : i32
      %dma_start3A_264 = tpu.memref_slice %arg7[%run_scoped3A_254, %dma_start3A_262, %dma_start3A_263] : memref<2x128x128xf32, #tpu.memory_space<vmem>> -> memref<1x128x128xf32, #tpu.memory_space<vmem>>
      %dma_start3A_265 = tpu.memref_squeeze %dma_start3A_264 : memref<1x128x128xf32, #tpu.memory_space<vmem>> -> memref<128x128xf32, #tpu.memory_space<vmem>>
      %dma_start3A_266 = arith.constant 0 : i32
      %dma_start3A_267 = tpu.memref_slice %arg6[%run_scoped3A_255, %dma_start3A_266] : memref<8x128xi32, #tpu.memory_space<vmem>> -> memref<1x128xi32, #tpu.memory_space<vmem>>
      %dma_start3A_268 = tpu.memref_squeeze %dma_start3A_267 : memref<1x128xi32, #tpu.memory_space<vmem>> -> memref<128xi32, #tpu.memory_space<vmem>>
      %dma_start3A_269 = arith.constant 0 : i32
      %dma_start3A_270 = arith.constant 0 : i32
      %dma_start3A_271 = tpu.memref_slice %arg8[%dma_start3A_269, %dma_start3A_270] : memref<2048x128xf32, #tpu.memory_space<vmem_shared>> -> memref<2048x128xf32, #tpu.memory_space<vmem_shared>>
      tpu.enqueue_indirect_dma source(%dma_start3A_265 : memref<128x128xf32, #tpu.memory_space<vmem>>) target(%dma_start3A_271 : memref<2048x128xf32, #tpu.memory_space<vmem_shared>>) offsets(%dma_start3A_268 : memref<128xi32, #tpu.memory_space<vmem>>) semaphore(%run_scoped3A_261 : memref<!tpu.dma_semaphore, #tpu.memory_space<semaphore_mem>>) {add = true}
      %dma_wait3A_272 = arith.constant 0 : i32
      %dma_wait3A_273 = arith.constant 0 : i32
      %dma_wait3A_274 = tpu.memref_slice %arg7[%run_scoped3A_254, %dma_wait3A_272, %dma_wait3A_273] : memref<2x128x128xf32, #tpu.memory_space<vmem>> -> memref<1x128x128xf32, #tpu.memory_space<vmem>>
      %dma_wait3A_275 = tpu.memref_squeeze %dma_wait3A_274 : memref<1x128x128xf32, #tpu.memory_space<vmem>> -> memref<128x128xf32, #tpu.memory_space<vmem>>
      %dma_wait3A_276 = arith.constant 0 : i32
      %dma_wait3A_277 = tpu.memref_slice %arg6[%run_scoped3A_255, %dma_wait3A_276] : memref<8x128xi32, #tpu.memory_space<vmem>> -> memref<1x128xi32, #tpu.memory_space<vmem>>
      %dma_wait3A_278 = tpu.memref_squeeze %dma_wait3A_277 : memref<1x128xi32, #tpu.memory_space<vmem>> -> memref<128xi32, #tpu.memory_space<vmem>>
      %dma_wait3A_279 = arith.constant 0 : i32
      %dma_wait3A_280 = arith.constant 0 : i32
      %dma_wait3A_281 = tpu.memref_slice %arg8[%dma_wait3A_279, %dma_wait3A_280] : memref<2048x128xf32, #tpu.memory_space<vmem_shared>> -> memref<2048x128xf32, #tpu.memory_space<vmem_shared>>
      tpu.wait_indirect_dma semaphore(%run_scoped3A_261 : memref<!tpu.dma_semaphore, #tpu.memory_space<semaphore_mem>>) src(%dma_wait3A_275 : memref<128x128xf32, #tpu.memory_space<vmem>>) dst(%dma_wait3A_281 : memref<2048x128xf32, #tpu.memory_space<vmem_shared>>)
      tpu.yield
    }) : () -> ()
    %barrier3A_256 = arith.constant 0 : index
    tpu.barrier barrier_id(%barrier3A_256)
    %mul3A_257 = arith.constant 128 : i32
    %mul3A_258 = arith.muli %arg1, %mul3A_257 : i32
    %mul3A_259 = arith.constant 128 : i32
    %mul3A_260 = arith.muli %arg1, %mul3A_259 : i32
    "tpu.region"() ({
      %run_scoped3A_261 = tpu.sem_alloc : memref<!tpu.dma_semaphore, #tpu.memory_space<semaphore_mem>>
      %dma_start3A_262 = arith.constant 0 : i32
      %dma_start3A_263 = tpu.memref_slice %arg5[%arg0, %mul3A_260, %dma_start3A_262] : memref<2x2048x128xf32, #tpu.memory_space<hbm>> -> memref<1x128x128xf32, #tpu.memory_space<hbm>>
      %dma_start3A_264 = tpu.memref_squeeze %dma_start3A_263 : memref<1x128x128xf32, #tpu.memory_space<hbm>> -> memref<128x128xf32, #tpu.memory_space<hbm>>
      %dma_start3A_265 = arith.constant 0 : i32
      %dma_start3A_266 = tpu.memref_slice %arg8[%mul3A_258, %dma_start3A_265] : memref<2048x128xf32, #tpu.memory_space<vmem_shared>> -> memref<128x128xf32, #tpu.memory_space<vmem_shared>>
      tpu.enqueue_dma source(%dma_start3A_266 : memref<128x128xf32, #tpu.memory_space<vmem_shared>>) target(%dma_start3A_264 : memref<128x128xf32, #tpu.memory_space<hbm>>) target_semaphore(%run_scoped3A_261 : memref<!tpu.dma_semaphore, #tpu.memory_space<semaphore_mem>>)
      %dma_wait3A_267 = arith.constant 0 : i32
      %dma_wait3A_268 = tpu.memref_slice %arg5[%arg0, %mul3A_260, %dma_wait3A_267] : memref<2x2048x128xf32, #tpu.memory_space<hbm>> -> memref<1x128x128xf32, #tpu.memory_space<hbm>>
      %dma_wait3A_269 = tpu.memref_squeeze %dma_wait3A_268 : memref<1x128x128xf32, #tpu.memory_space<hbm>> -> memref<128x128xf32, #tpu.memory_space<hbm>>
      %dma_wait3A_270 = arith.constant 0 : i32
      %dma_wait3A_271 = tpu.memref_slice %arg8[%mul3A_258, %dma_wait3A_270] : memref<2048x128xf32, #tpu.memory_space<vmem_shared>> -> memref<128x128xf32, #tpu.memory_space<vmem_shared>>
      tpu.wait_dma2 semaphore(%run_scoped3A_261 : memref<!tpu.dma_semaphore, #tpu.memory_space<semaphore_mem>>) src(%dma_wait3A_271 : memref<128x128xf32, #tpu.memory_space<vmem_shared>>) dst(%dma_wait3A_269 : memref<128x128xf32, #tpu.memory_space<hbm>>)
      tpu.yield
    }) : () -> ()
    return
  }
}

#map = affine_map<(d0, d1) -> (0, 0)>
#map1 = affine_map<(d0, d1) -> (0, 0, 0)>
module attributes {stable_mosaic.version = 14 : i64} {
  func.func @_gather_body(%arg0: i32, %arg1: i32, %arg2: memref<2048x32xf32, #tpu.memory_space<hbm>>, %arg3: memref<32x8x128xi32, #tpu.memory_space<hbm>>, %arg4: memref<32768x32xf32, #tpu.memory_space<hbm>>, %arg5: memref<8x128xi32, #tpu.memory_space<vmem>>, %arg6: memref<2x128x32xf32, #tpu.memory_space<vmem>>, %arg7: memref<!tpu.dma_semaphore, #tpu.memory_space<semaphore_mem>>, %arg8: memref<!tpu.dma_semaphore, #tpu.memory_space<semaphore_mem>>) attributes {dimension_semantics = [#tpu.dimension_semantics<core_parallel>, #tpu.dimension_semantics<subcore_parallel>], iteration_bounds = array<i64: 2, 16>, scalar_prefetch = 0 : i64, scratch_operands = 4 : i64, tpu.core_type = #tpu.core_type<sc_vector_subcore>, window_params = [{transform_indices = #map}, {transform_indices = #map1}, {transform_indices = #map}]} {
    %mul3A = arith.constant 2 : i32
    %mul3A_0 = arith.muli %arg1, %mul3A : i32
    %add3A = arith.addi %mul3A_0, %arg0 : i32
    "tpu.region"() ({
      %run_scoped3A_230 = tpu.sem_alloc : memref<!tpu.dma_semaphore, #tpu.memory_space<semaphore_mem>>
      %dma_start3A_231 = arith.constant 0 : i32
      %dma_start3A_232 = arith.constant 0 : i32
      %dma_start3A_233 = tpu.memref_slice %arg3[%add3A, %dma_start3A_231, %dma_start3A_232] : memref<32x8x128xi32, #tpu.memory_space<hbm>> -> memref<1x8x128xi32, #tpu.memory_space<hbm>>
      %dma_start3A_234 = tpu.memref_squeeze %dma_start3A_233 : memref<1x8x128xi32, #tpu.memory_space<hbm>> -> memref<8x128xi32, #tpu.memory_space<hbm>>
      %dma_start3A_235 = arith.constant 0 : i32
      %dma_start3A_236 = arith.constant 0 : i32
      %dma_start3A_237 = tpu.memref_slice %arg3[%add3A, %dma_start3A_235, %dma_start3A_236] : memref<32x8x128xi32, #tpu.memory_space<hbm>> -> memref<1x8x128xi32, #tpu.memory_space<hbm>>
      %dma_start3A_238 = tpu.memref_squeeze %dma_start3A_237 : memref<1x8x128xi32, #tpu.memory_space<hbm>> -> memref<8x128xi32, #tpu.memory_space<hbm>>
      tpu.enqueue_dma source(%dma_start3A_238 : memref<8x128xi32, #tpu.memory_space<hbm>>) target(%arg5 : memref<8x128xi32, #tpu.memory_space<vmem>>) target_semaphore(%run_scoped3A_230 : memref<!tpu.dma_semaphore, #tpu.memory_space<semaphore_mem>>)
      %dma_wait3A_239 = arith.constant 0 : i32
      %dma_wait3A_240 = arith.constant 0 : i32
      %dma_wait3A_241 = tpu.memref_slice %arg3[%add3A, %dma_wait3A_239, %dma_wait3A_240] : memref<32x8x128xi32, #tpu.memory_space<hbm>> -> memref<1x8x128xi32, #tpu.memory_space<hbm>>
      %dma_wait3A_242 = tpu.memref_squeeze %dma_wait3A_241 : memref<1x8x128xi32, #tpu.memory_space<hbm>> -> memref<8x128xi32, #tpu.memory_space<hbm>>
      %dma_wait3A_243 = arith.constant 0 : i32
      %dma_wait3A_244 = arith.constant 0 : i32
      %dma_wait3A_245 = tpu.memref_slice %arg3[%add3A, %dma_wait3A_243, %dma_wait3A_244] : memref<32x8x128xi32, #tpu.memory_space<hbm>> -> memref<1x8x128xi32, #tpu.memory_space<hbm>>
      %dma_wait3A_246 = tpu.memref_squeeze %dma_wait3A_245 : memref<1x8x128xi32, #tpu.memory_space<hbm>> -> memref<8x128xi32, #tpu.memory_space<hbm>>
      tpu.wait_dma2 semaphore(%run_scoped3A_230 : memref<!tpu.dma_semaphore, #tpu.memory_space<semaphore_mem>>) src(%dma_wait3A_246 : memref<8x128xi32, #tpu.memory_space<hbm>>) dst(%arg5 : memref<8x128xi32, #tpu.memory_space<vmem>>)
      tpu.yield
    }) : () -> ()
    %dma_start3A = arith.constant 0 : i32
    %dma_start3A_1 = arith.constant 0 : i32
    %dma_start3A_2 = arith.constant 0 : i32
    %dma_start3A_3 = arith.constant 0 : i32
    %dma_start3A_4 = tpu.memref_slice %arg6[%dma_start3A_1, %dma_start3A_2, %dma_start3A_3] : memref<2x128x32xf32, #tpu.memory_space<vmem>> -> memref<1x128x32xf32, #tpu.memory_space<vmem>>
    %dma_start3A_5 = tpu.memref_squeeze %dma_start3A_4 : memref<1x128x32xf32, #tpu.memory_space<vmem>> -> memref<128x32xf32, #tpu.memory_space<vmem>>
    %dma_start3A_6 = arith.constant 0 : i32
    %dma_start3A_7 = tpu.memref_slice %arg5[%dma_start3A, %dma_start3A_6] : memref<8x128xi32, #tpu.memory_space<vmem>> -> memref<1x128xi32, #tpu.memory_space<vmem>>
    %dma_start3A_8 = tpu.memref_squeeze %dma_start3A_7 : memref<1x128xi32, #tpu.memory_space<vmem>> -> memref<128xi32, #tpu.memory_space<vmem>>
    %dma_start3A_9 = arith.constant 0 : i32
    %dma_start3A_10 = arith.constant 0 : i32
    %dma_start3A_11 = tpu.memref_slice %arg2[%dma_start3A_9, %dma_start3A_10] : memref<2048x32xf32, #tpu.memory_space<hbm>> -> memref<2048x32xf32, #tpu.memory_space<hbm>>
    tpu.enqueue_indirect_dma source(%dma_start3A_11 : memref<2048x32xf32, #tpu.memory_space<hbm>>) target(%dma_start3A_5 : memref<128x32xf32, #tpu.memory_space<vmem>>) offsets(%dma_start3A_8 : memref<128xi32, #tpu.memory_space<vmem>>) semaphore(%arg7 : memref<!tpu.dma_semaphore, #tpu.memory_space<semaphore_mem>>)
    %dma_start3A_12 = arith.constant 1 : i32
    %dma_start3A_13 = arith.constant 1 : i32
    %dma_start3A_14 = arith.constant 0 : i32
    %dma_start3A_15 = arith.constant 0 : i32
    %dma_start3A_16 = tpu.memref_slice %arg6[%dma_start3A_13, %dma_start3A_14, %dma_start3A_15] : memref<2x128x32xf32, #tpu.memory_space<vmem>> -> memref<1x128x32xf32, #tpu.memory_space<vmem>>
    %dma_start3A_17 = tpu.memref_squeeze %dma_start3A_16 : memref<1x128x32xf32, #tpu.memory_space<vmem>> -> memref<128x32xf32, #tpu.memory_space<vmem>>
    %dma_start3A_18 = arith.constant 0 : i32
    %dma_start3A_19 = tpu.memref_slice %arg5[%dma_start3A_12, %dma_start3A_18] : memref<8x128xi32, #tpu.memory_space<vmem>> -> memref<1x128xi32, #tpu.memory_space<vmem>>
    %dma_start3A_20 = tpu.memref_squeeze %dma_start3A_19 : memref<1x128xi32, #tpu.memory_space<vmem>> -> memref<128xi32, #tpu.memory_space<vmem>>
    %dma_start3A_21 = arith.constant 0 : i32
    %dma_start3A_22 = arith.constant 0 : i32
    %dma_start3A_23 = tpu.memref_slice %arg2[%dma_start3A_21, %dma_start3A_22] : memref<2048x32xf32, #tpu.memory_space<hbm>> -> memref<2048x32xf32, #tpu.memory_space<hbm>>
    tpu.enqueue_indirect_dma source(%dma_start3A_23 : memref<2048x32xf32, #tpu.memory_space<hbm>>) target(%dma_start3A_17 : memref<128x32xf32, #tpu.memory_space<vmem>>) offsets(%dma_start3A_20 : memref<128xi32, #tpu.memory_space<vmem>>) semaphore(%arg8 : memref<!tpu.dma_semaphore, #tpu.memory_space<semaphore_mem>>)
    %dma_wait3A = arith.constant 0 : i32
    %dma_wait3A_24 = arith.constant 0 : i32
    %dma_wait3A_25 = arith.constant 0 : i32
    %dma_wait3A_26 = arith.constant 0 : i32
    %dma_wait3A_27 = tpu.memref_slice %arg6[%dma_wait3A_24, %dma_wait3A_25, %dma_wait3A_26] : memref<2x128x32xf32, #tpu.memory_space<vmem>> -> memref<1x128x32xf32, #tpu.memory_space<vmem>>
    %dma_wait3A_28 = tpu.memref_squeeze %dma_wait3A_27 : memref<1x128x32xf32, #tpu.memory_space<vmem>> -> memref<128x32xf32, #tpu.memory_space<vmem>>
    %dma_wait3A_29 = arith.constant 0 : i32
    %dma_wait3A_30 = tpu.memref_slice %arg5[%dma_wait3A, %dma_wait3A_29] : memref<8x128xi32, #tpu.memory_space<vmem>> -> memref<1x128xi32, #tpu.memory_space<vmem>>
    %dma_wait3A_31 = tpu.memref_squeeze %dma_wait3A_30 : memref<1x128xi32, #tpu.memory_space<vmem>> -> memref<128xi32, #tpu.memory_space<vmem>>
    %dma_wait3A_32 = arith.constant 0 : i32
    %dma_wait3A_33 = arith.constant 0 : i32
    %dma_wait3A_34 = tpu.memref_slice %arg2[%dma_wait3A_32, %dma_wait3A_33] : memref<2048x32xf32, #tpu.memory_space<hbm>> -> memref<2048x32xf32, #tpu.memory_space<hbm>>
    tpu.wait_indirect_dma semaphore(%arg7 : memref<!tpu.dma_semaphore, #tpu.memory_space<semaphore_mem>>) src(%dma_wait3A_34 : memref<2048x32xf32, #tpu.memory_space<hbm>>) dst(%dma_wait3A_28 : memref<128x32xf32, #tpu.memory_space<vmem>>)
    %mul3A_35 = arith.constant 1024 : i32
    %mul3A_36 = arith.muli %add3A, %mul3A_35 : i32
    %add3A_37 = arith.constant 0 : i32
    %add3A_38 = arith.addi %mul3A_36, %add3A_37 : i32
    %run_scoped3A = arith.constant 0 : i32
    "tpu.region"() ({
      %run_scoped3A_230 = tpu.sem_alloc : memref<!tpu.dma_semaphore, #tpu.memory_space<semaphore_mem>>
      %dma_start3A_231 = arith.constant 0 : i32
      %dma_start3A_232 = arith.constant 0 : i32
      %dma_start3A_233 = tpu.memref_slice %arg6[%run_scoped3A, %dma_start3A_231, %dma_start3A_232] : memref<2x128x32xf32, #tpu.memory_space<vmem>> -> memref<1x128x32xf32, #tpu.memory_space<vmem>>
      %dma_start3A_234 = tpu.memref_squeeze %dma_start3A_233 : memref<1x128x32xf32, #tpu.memory_space<vmem>> -> memref<128x32xf32, #tpu.memory_space<vmem>>
      %dma_start3A_235 = arith.constant 0 : i32
      %dma_start3A_236 = tpu.memref_slice %arg4[%add3A_38, %dma_start3A_235] : memref<32768x32xf32, #tpu.memory_space<hbm>> -> memref<128x32xf32, #tpu.memory_space<hbm>>
      %dma_start3A_237 = arith.constant 0 : i32
      %dma_start3A_238 = tpu.memref_slice %arg4[%add3A_38, %dma_start3A_237] : memref<32768x32xf32, #tpu.memory_space<hbm>> -> memref<128x32xf32, #tpu.memory_space<hbm>>
      %dma_start3A_239 = arith.constant 0 : i32
      %dma_start3A_240 = arith.constant 0 : i32
      %dma_start3A_241 = tpu.memref_slice %arg6[%run_scoped3A, %dma_start3A_239, %dma_start3A_240] : memref<2x128x32xf32, #tpu.memory_space<vmem>> -> memref<1x128x32xf32, #tpu.memory_space<vmem>>
      %dma_start3A_242 = tpu.memref_squeeze %dma_start3A_241 : memref<1x128x32xf32, #tpu.memory_space<vmem>> -> memref<128x32xf32, #tpu.memory_space<vmem>>
      tpu.enqueue_dma source(%dma_start3A_242 : memref<128x32xf32, #tpu.memory_space<vmem>>) target(%dma_start3A_238 : memref<128x32xf32, #tpu.memory_space<hbm>>) target_semaphore(%run_scoped3A_230 : memref<!tpu.dma_semaphore, #tpu.memory_space<semaphore_mem>>)
      %dma_wait3A_243 = arith.constant 0 : i32
      %dma_wait3A_244 = arith.constant 0 : i32
      %dma_wait3A_245 = tpu.memref_slice %arg6[%run_scoped3A, %dma_wait3A_243, %dma_wait3A_244] : memref<2x128x32xf32, #tpu.memory_space<vmem>> -> memref<1x128x32xf32, #tpu.memory_space<vmem>>
      %dma_wait3A_246 = tpu.memref_squeeze %dma_wait3A_245 : memref<1x128x32xf32, #tpu.memory_space<vmem>> -> memref<128x32xf32, #tpu.memory_space<vmem>>
      %dma_wait3A_247 = arith.constant 0 : i32
      %dma_wait3A_248 = tpu.memref_slice %arg4[%add3A_38, %dma_wait3A_247] : memref<32768x32xf32, #tpu.memory_space<hbm>> -> memref<128x32xf32, #tpu.memory_space<hbm>>
      %dma_wait3A_249 = arith.constant 0 : i32
      %dma_wait3A_250 = tpu.memref_slice %arg4[%add3A_38, %dma_wait3A_249] : memref<32768x32xf32, #tpu.memory_space<hbm>> -> memref<128x32xf32, #tpu.memory_space<hbm>>
      %dma_wait3A_251 = arith.constant 0 : i32
      %dma_wait3A_252 = arith.constant 0 : i32
      %dma_wait3A_253 = tpu.memref_slice %arg6[%run_scoped3A, %dma_wait3A_251, %dma_wait3A_252] : memref<2x128x32xf32, #tpu.memory_space<vmem>> -> memref<1x128x32xf32, #tpu.memory_space<vmem>>
      %dma_wait3A_254 = tpu.memref_squeeze %dma_wait3A_253 : memref<1x128x32xf32, #tpu.memory_space<vmem>> -> memref<128x32xf32, #tpu.memory_space<vmem>>
      tpu.wait_dma2 semaphore(%run_scoped3A_230 : memref<!tpu.dma_semaphore, #tpu.memory_space<semaphore_mem>>) src(%dma_wait3A_254 : memref<128x32xf32, #tpu.memory_space<vmem>>) dst(%dma_wait3A_250 : memref<128x32xf32, #tpu.memory_space<hbm>>)
      tpu.yield
    }) : () -> ()
    %dma_start3A_39 = arith.constant 2 : i32
    %dma_start3A_40 = arith.constant 0 : i32
    %dma_start3A_41 = arith.constant 0 : i32
    %dma_start3A_42 = arith.constant 0 : i32
    %dma_start3A_43 = tpu.memref_slice %arg6[%dma_start3A_40, %dma_start3A_41, %dma_start3A_42] : memref<2x128x32xf32, #tpu.memory_space<vmem>> -> memref<1x128x32xf32, #tpu.memory_space<vmem>>
    %dma_start3A_44 = tpu.memref_squeeze %dma_start3A_43 : memref<1x128x32xf32, #tpu.memory_space<vmem>> -> memref<128x32xf32, #tpu.memory_space<vmem>>
    %dma_start3A_45 = arith.constant 0 : i32
    %dma_start3A_46 = tpu.memref_slice %arg5[%dma_start3A_39, %dma_start3A_45] : memref<8x128xi32, #tpu.memory_space<vmem>> -> memref<1x128xi32, #tpu.memory_space<vmem>>
    %dma_start3A_47 = tpu.memref_squeeze %dma_start3A_46 : memref<1x128xi32, #tpu.memory_space<vmem>> -> memref<128xi32, #tpu.memory_space<vmem>>
    %dma_start3A_48 = arith.constant 0 : i32
    %dma_start3A_49 = arith.constant 0 : i32
    %dma_start3A_50 = tpu.memref_slice %arg2[%dma_start3A_48, %dma_start3A_49] : memref<2048x32xf32, #tpu.memory_space<hbm>> -> memref<2048x32xf32, #tpu.memory_space<hbm>>
    tpu.enqueue_indirect_dma source(%dma_start3A_50 : memref<2048x32xf32, #tpu.memory_space<hbm>>) target(%dma_start3A_44 : memref<128x32xf32, #tpu.memory_space<vmem>>) offsets(%dma_start3A_47 : memref<128xi32, #tpu.memory_space<vmem>>) semaphore(%arg7 : memref<!tpu.dma_semaphore, #tpu.memory_space<semaphore_mem>>)
    %dma_wait3A_51 = arith.constant 1 : i32
    %dma_wait3A_52 = arith.constant 1 : i32
    %dma_wait3A_53 = arith.constant 0 : i32
    %dma_wait3A_54 = arith.constant 0 : i32
    %dma_wait3A_55 = tpu.memref_slice %arg6[%dma_wait3A_52, %dma_wait3A_53, %dma_wait3A_54] : memref<2x128x32xf32, #tpu.memory_space<vmem>> -> memref<1x128x32xf32, #tpu.memory_space<vmem>>
    %dma_wait3A_56 = tpu.memref_squeeze %dma_wait3A_55 : memref<1x128x32xf32, #tpu.memory_space<vmem>> -> memref<128x32xf32, #tpu.memory_space<vmem>>
    %dma_wait3A_57 = arith.constant 0 : i32
    %dma_wait3A_58 = tpu.memref_slice %arg5[%dma_wait3A_51, %dma_wait3A_57] : memref<8x128xi32, #tpu.memory_space<vmem>> -> memref<1x128xi32, #tpu.memory_space<vmem>>
    %dma_wait3A_59 = tpu.memref_squeeze %dma_wait3A_58 : memref<1x128xi32, #tpu.memory_space<vmem>> -> memref<128xi32, #tpu.memory_space<vmem>>
    %dma_wait3A_60 = arith.constant 0 : i32
    %dma_wait3A_61 = arith.constant 0 : i32
    %dma_wait3A_62 = tpu.memref_slice %arg2[%dma_wait3A_60, %dma_wait3A_61] : memref<2048x32xf32, #tpu.memory_space<hbm>> -> memref<2048x32xf32, #tpu.memory_space<hbm>>
    tpu.wait_indirect_dma semaphore(%arg8 : memref<!tpu.dma_semaphore, #tpu.memory_space<semaphore_mem>>) src(%dma_wait3A_62 : memref<2048x32xf32, #tpu.memory_space<hbm>>) dst(%dma_wait3A_56 : memref<128x32xf32, #tpu.memory_space<vmem>>)
    %mul3A_63 = arith.constant 1024 : i32
    %mul3A_64 = arith.muli %add3A, %mul3A_63 : i32
    %add3A_65 = arith.constant 128 : i32
    %add3A_66 = arith.addi %mul3A_64, %add3A_65 : i32
    %run_scoped3A_67 = arith.constant 1 : i32
    "tpu.region"() ({
      %run_scoped3A_230 = tpu.sem_alloc : memref<!tpu.dma_semaphore, #tpu.memory_space<semaphore_mem>>
      %dma_start3A_231 = arith.constant 0 : i32
      %dma_start3A_232 = arith.constant 0 : i32
      %dma_start3A_233 = tpu.memref_slice %arg6[%run_scoped3A_67, %dma_start3A_231, %dma_start3A_232] : memref<2x128x32xf32, #tpu.memory_space<vmem>> -> memref<1x128x32xf32, #tpu.memory_space<vmem>>
      %dma_start3A_234 = tpu.memref_squeeze %dma_start3A_233 : memref<1x128x32xf32, #tpu.memory_space<vmem>> -> memref<128x32xf32, #tpu.memory_space<vmem>>
      %dma_start3A_235 = arith.constant 0 : i32
      %dma_start3A_236 = tpu.memref_slice %arg4[%add3A_66, %dma_start3A_235] : memref<32768x32xf32, #tpu.memory_space<hbm>> -> memref<128x32xf32, #tpu.memory_space<hbm>>
      %dma_start3A_237 = arith.constant 0 : i32
      %dma_start3A_238 = tpu.memref_slice %arg4[%add3A_66, %dma_start3A_237] : memref<32768x32xf32, #tpu.memory_space<hbm>> -> memref<128x32xf32, #tpu.memory_space<hbm>>
      %dma_start3A_239 = arith.constant 0 : i32
      %dma_start3A_240 = arith.constant 0 : i32
      %dma_start3A_241 = tpu.memref_slice %arg6[%run_scoped3A_67, %dma_start3A_239, %dma_start3A_240] : memref<2x128x32xf32, #tpu.memory_space<vmem>> -> memref<1x128x32xf32, #tpu.memory_space<vmem>>
      %dma_start3A_242 = tpu.memref_squeeze %dma_start3A_241 : memref<1x128x32xf32, #tpu.memory_space<vmem>> -> memref<128x32xf32, #tpu.memory_space<vmem>>
      tpu.enqueue_dma source(%dma_start3A_242 : memref<128x32xf32, #tpu.memory_space<vmem>>) target(%dma_start3A_238 : memref<128x32xf32, #tpu.memory_space<hbm>>) target_semaphore(%run_scoped3A_230 : memref<!tpu.dma_semaphore, #tpu.memory_space<semaphore_mem>>)
      %dma_wait3A_243 = arith.constant 0 : i32
      %dma_wait3A_244 = arith.constant 0 : i32
      %dma_wait3A_245 = tpu.memref_slice %arg6[%run_scoped3A_67, %dma_wait3A_243, %dma_wait3A_244] : memref<2x128x32xf32, #tpu.memory_space<vmem>> -> memref<1x128x32xf32, #tpu.memory_space<vmem>>
      %dma_wait3A_246 = tpu.memref_squeeze %dma_wait3A_245 : memref<1x128x32xf32, #tpu.memory_space<vmem>> -> memref<128x32xf32, #tpu.memory_space<vmem>>
      %dma_wait3A_247 = arith.constant 0 : i32
      %dma_wait3A_248 = tpu.memref_slice %arg4[%add3A_66, %dma_wait3A_247] : memref<32768x32xf32, #tpu.memory_space<hbm>> -> memref<128x32xf32, #tpu.memory_space<hbm>>
      %dma_wait3A_249 = arith.constant 0 : i32
      %dma_wait3A_250 = tpu.memref_slice %arg4[%add3A_66, %dma_wait3A_249] : memref<32768x32xf32, #tpu.memory_space<hbm>> -> memref<128x32xf32, #tpu.memory_space<hbm>>
      %dma_wait3A_251 = arith.constant 0 : i32
      %dma_wait3A_252 = arith.constant 0 : i32
      %dma_wait3A_253 = tpu.memref_slice %arg6[%run_scoped3A_67, %dma_wait3A_251, %dma_wait3A_252] : memref<2x128x32xf32, #tpu.memory_space<vmem>> -> memref<1x128x32xf32, #tpu.memory_space<vmem>>
      %dma_wait3A_254 = tpu.memref_squeeze %dma_wait3A_253 : memref<1x128x32xf32, #tpu.memory_space<vmem>> -> memref<128x32xf32, #tpu.memory_space<vmem>>
      tpu.wait_dma2 semaphore(%run_scoped3A_230 : memref<!tpu.dma_semaphore, #tpu.memory_space<semaphore_mem>>) src(%dma_wait3A_254 : memref<128x32xf32, #tpu.memory_space<vmem>>) dst(%dma_wait3A_250 : memref<128x32xf32, #tpu.memory_space<hbm>>)
      tpu.yield
    }) : () -> ()
    %dma_start3A_68 = arith.constant 3 : i32
    %dma_start3A_69 = arith.constant 1 : i32
    %dma_start3A_70 = arith.constant 0 : i32
    %dma_start3A_71 = arith.constant 0 : i32
    %dma_start3A_72 = tpu.memref_slice %arg6[%dma_start3A_69, %dma_start3A_70, %dma_start3A_71] : memref<2x128x32xf32, #tpu.memory_space<vmem>> -> memref<1x128x32xf32, #tpu.memory_space<vmem>>
    %dma_start3A_73 = tpu.memref_squeeze %dma_start3A_72 : memref<1x128x32xf32, #tpu.memory_space<vmem>> -> memref<128x32xf32, #tpu.memory_space<vmem>>
    %dma_start3A_74 = arith.constant 0 : i32
    %dma_start3A_75 = tpu.memref_slice %arg5[%dma_start3A_68, %dma_start3A_74] : memref<8x128xi32, #tpu.memory_space<vmem>> -> memref<1x128xi32, #tpu.memory_space<vmem>>
    %dma_start3A_76 = tpu.memref_squeeze %dma_start3A_75 : memref<1x128xi32, #tpu.memory_space<vmem>> -> memref<128xi32, #tpu.memory_space<vmem>>
    %dma_start3A_77 = arith.constant 0 : i32
    %dma_start3A_78 = arith.constant 0 : i32
    %dma_start3A_79 = tpu.memref_slice %arg2[%dma_start3A_77, %dma_start3A_78] : memref<2048x32xf32, #tpu.memory_space<hbm>> -> memref<2048x32xf32, #tpu.memory_space<hbm>>
    tpu.enqueue_indirect_dma source(%dma_start3A_79 : memref<2048x32xf32, #tpu.memory_space<hbm>>) target(%dma_start3A_73 : memref<128x32xf32, #tpu.memory_space<vmem>>) offsets(%dma_start3A_76 : memref<128xi32, #tpu.memory_space<vmem>>) semaphore(%arg8 : memref<!tpu.dma_semaphore, #tpu.memory_space<semaphore_mem>>)
    %dma_wait3A_80 = arith.constant 2 : i32
    %dma_wait3A_81 = arith.constant 0 : i32
    %dma_wait3A_82 = arith.constant 0 : i32
    %dma_wait3A_83 = arith.constant 0 : i32
    %dma_wait3A_84 = tpu.memref_slice %arg6[%dma_wait3A_81, %dma_wait3A_82, %dma_wait3A_83] : memref<2x128x32xf32, #tpu.memory_space<vmem>> -> memref<1x128x32xf32, #tpu.memory_space<vmem>>
    %dma_wait3A_85 = tpu.memref_squeeze %dma_wait3A_84 : memref<1x128x32xf32, #tpu.memory_space<vmem>> -> memref<128x32xf32, #tpu.memory_space<vmem>>
    %dma_wait3A_86 = arith.constant 0 : i32
    %dma_wait3A_87 = tpu.memref_slice %arg5[%dma_wait3A_80, %dma_wait3A_86] : memref<8x128xi32, #tpu.memory_space<vmem>> -> memref<1x128xi32, #tpu.memory_space<vmem>>
    %dma_wait3A_88 = tpu.memref_squeeze %dma_wait3A_87 : memref<1x128xi32, #tpu.memory_space<vmem>> -> memref<128xi32, #tpu.memory_space<vmem>>
    %dma_wait3A_89 = arith.constant 0 : i32
    %dma_wait3A_90 = arith.constant 0 : i32
    %dma_wait3A_91 = tpu.memref_slice %arg2[%dma_wait3A_89, %dma_wait3A_90] : memref<2048x32xf32, #tpu.memory_space<hbm>> -> memref<2048x32xf32, #tpu.memory_space<hbm>>
    tpu.wait_indirect_dma semaphore(%arg7 : memref<!tpu.dma_semaphore, #tpu.memory_space<semaphore_mem>>) src(%dma_wait3A_91 : memref<2048x32xf32, #tpu.memory_space<hbm>>) dst(%dma_wait3A_85 : memref<128x32xf32, #tpu.memory_space<vmem>>)
    %mul3A_92 = arith.constant 1024 : i32
    %mul3A_93 = arith.muli %add3A, %mul3A_92 : i32
    %add3A_94 = arith.constant 256 : i32
    %add3A_95 = arith.addi %mul3A_93, %add3A_94 : i32
    %run_scoped3A_96 = arith.constant 0 : i32
    "tpu.region"() ({
      %run_scoped3A_230 = tpu.sem_alloc : memref<!tpu.dma_semaphore, #tpu.memory_space<semaphore_mem>>
      %dma_start3A_231 = arith.constant 0 : i32
      %dma_start3A_232 = arith.constant 0 : i32
      %dma_start3A_233 = tpu.memref_slice %arg6[%run_scoped3A_96, %dma_start3A_231, %dma_start3A_232] : memref<2x128x32xf32, #tpu.memory_space<vmem>> -> memref<1x128x32xf32, #tpu.memory_space<vmem>>
      %dma_start3A_234 = tpu.memref_squeeze %dma_start3A_233 : memref<1x128x32xf32, #tpu.memory_space<vmem>> -> memref<128x32xf32, #tpu.memory_space<vmem>>
      %dma_start3A_235 = arith.constant 0 : i32
      %dma_start3A_236 = tpu.memref_slice %arg4[%add3A_95, %dma_start3A_235] : memref<32768x32xf32, #tpu.memory_space<hbm>> -> memref<128x32xf32, #tpu.memory_space<hbm>>
      %dma_start3A_237 = arith.constant 0 : i32
      %dma_start3A_238 = tpu.memref_slice %arg4[%add3A_95, %dma_start3A_237] : memref<32768x32xf32, #tpu.memory_space<hbm>> -> memref<128x32xf32, #tpu.memory_space<hbm>>
      %dma_start3A_239 = arith.constant 0 : i32
      %dma_start3A_240 = arith.constant 0 : i32
      %dma_start3A_241 = tpu.memref_slice %arg6[%run_scoped3A_96, %dma_start3A_239, %dma_start3A_240] : memref<2x128x32xf32, #tpu.memory_space<vmem>> -> memref<1x128x32xf32, #tpu.memory_space<vmem>>
      %dma_start3A_242 = tpu.memref_squeeze %dma_start3A_241 : memref<1x128x32xf32, #tpu.memory_space<vmem>> -> memref<128x32xf32, #tpu.memory_space<vmem>>
      tpu.enqueue_dma source(%dma_start3A_242 : memref<128x32xf32, #tpu.memory_space<vmem>>) target(%dma_start3A_238 : memref<128x32xf32, #tpu.memory_space<hbm>>) target_semaphore(%run_scoped3A_230 : memref<!tpu.dma_semaphore, #tpu.memory_space<semaphore_mem>>)
      %dma_wait3A_243 = arith.constant 0 : i32
      %dma_wait3A_244 = arith.constant 0 : i32
      %dma_wait3A_245 = tpu.memref_slice %arg6[%run_scoped3A_96, %dma_wait3A_243, %dma_wait3A_244] : memref<2x128x32xf32, #tpu.memory_space<vmem>> -> memref<1x128x32xf32, #tpu.memory_space<vmem>>
      %dma_wait3A_246 = tpu.memref_squeeze %dma_wait3A_245 : memref<1x128x32xf32, #tpu.memory_space<vmem>> -> memref<128x32xf32, #tpu.memory_space<vmem>>
      %dma_wait3A_247 = arith.constant 0 : i32
      %dma_wait3A_248 = tpu.memref_slice %arg4[%add3A_95, %dma_wait3A_247] : memref<32768x32xf32, #tpu.memory_space<hbm>> -> memref<128x32xf32, #tpu.memory_space<hbm>>
      %dma_wait3A_249 = arith.constant 0 : i32
      %dma_wait3A_250 = tpu.memref_slice %arg4[%add3A_95, %dma_wait3A_249] : memref<32768x32xf32, #tpu.memory_space<hbm>> -> memref<128x32xf32, #tpu.memory_space<hbm>>
      %dma_wait3A_251 = arith.constant 0 : i32
      %dma_wait3A_252 = arith.constant 0 : i32
      %dma_wait3A_253 = tpu.memref_slice %arg6[%run_scoped3A_96, %dma_wait3A_251, %dma_wait3A_252] : memref<2x128x32xf32, #tpu.memory_space<vmem>> -> memref<1x128x32xf32, #tpu.memory_space<vmem>>
      %dma_wait3A_254 = tpu.memref_squeeze %dma_wait3A_253 : memref<1x128x32xf32, #tpu.memory_space<vmem>> -> memref<128x32xf32, #tpu.memory_space<vmem>>
      tpu.wait_dma2 semaphore(%run_scoped3A_230 : memref<!tpu.dma_semaphore, #tpu.memory_space<semaphore_mem>>) src(%dma_wait3A_254 : memref<128x32xf32, #tpu.memory_space<vmem>>) dst(%dma_wait3A_250 : memref<128x32xf32, #tpu.memory_space<hbm>>)
      tpu.yield
    }) : () -> ()
    %dma_start3A_97 = arith.constant 4 : i32
    %dma_start3A_98 = arith.constant 0 : i32
    %dma_start3A_99 = arith.constant 0 : i32
    %dma_start3A_100 = arith.constant 0 : i32
    %dma_start3A_101 = tpu.memref_slice %arg6[%dma_start3A_98, %dma_start3A_99, %dma_start3A_100] : memref<2x128x32xf32, #tpu.memory_space<vmem>> -> memref<1x128x32xf32, #tpu.memory_space<vmem>>
    %dma_start3A_102 = tpu.memref_squeeze %dma_start3A_101 : memref<1x128x32xf32, #tpu.memory_space<vmem>> -> memref<128x32xf32, #tpu.memory_space<vmem>>
    %dma_start3A_103 = arith.constant 0 : i32
    %dma_start3A_104 = tpu.memref_slice %arg5[%dma_start3A_97, %dma_start3A_103] : memref<8x128xi32, #tpu.memory_space<vmem>> -> memref<1x128xi32, #tpu.memory_space<vmem>>
    %dma_start3A_105 = tpu.memref_squeeze %dma_start3A_104 : memref<1x128xi32, #tpu.memory_space<vmem>> -> memref<128xi32, #tpu.memory_space<vmem>>
    %dma_start3A_106 = arith.constant 0 : i32
    %dma_start3A_107 = arith.constant 0 : i32
    %dma_start3A_108 = tpu.memref_slice %arg2[%dma_start3A_106, %dma_start3A_107] : memref<2048x32xf32, #tpu.memory_space<hbm>> -> memref<2048x32xf32, #tpu.memory_space<hbm>>
    tpu.enqueue_indirect_dma source(%dma_start3A_108 : memref<2048x32xf32, #tpu.memory_space<hbm>>) target(%dma_start3A_102 : memref<128x32xf32, #tpu.memory_space<vmem>>) offsets(%dma_start3A_105 : memref<128xi32, #tpu.memory_space<vmem>>) semaphore(%arg7 : memref<!tpu.dma_semaphore, #tpu.memory_space<semaphore_mem>>)
    %dma_wait3A_109 = arith.constant 3 : i32
    %dma_wait3A_110 = arith.constant 1 : i32
    %dma_wait3A_111 = arith.constant 0 : i32
    %dma_wait3A_112 = arith.constant 0 : i32
    %dma_wait3A_113 = tpu.memref_slice %arg6[%dma_wait3A_110, %dma_wait3A_111, %dma_wait3A_112] : memref<2x128x32xf32, #tpu.memory_space<vmem>> -> memref<1x128x32xf32, #tpu.memory_space<vmem>>
    %dma_wait3A_114 = tpu.memref_squeeze %dma_wait3A_113 : memref<1x128x32xf32, #tpu.memory_space<vmem>> -> memref<128x32xf32, #tpu.memory_space<vmem>>
    %dma_wait3A_115 = arith.constant 0 : i32
    %dma_wait3A_116 = tpu.memref_slice %arg5[%dma_wait3A_109, %dma_wait3A_115] : memref<8x128xi32, #tpu.memory_space<vmem>> -> memref<1x128xi32, #tpu.memory_space<vmem>>
    %dma_wait3A_117 = tpu.memref_squeeze %dma_wait3A_116 : memref<1x128xi32, #tpu.memory_space<vmem>> -> memref<128xi32, #tpu.memory_space<vmem>>
    %dma_wait3A_118 = arith.constant 0 : i32
    %dma_wait3A_119 = arith.constant 0 : i32
    %dma_wait3A_120 = tpu.memref_slice %arg2[%dma_wait3A_118, %dma_wait3A_119] : memref<2048x32xf32, #tpu.memory_space<hbm>> -> memref<2048x32xf32, #tpu.memory_space<hbm>>
    tpu.wait_indirect_dma semaphore(%arg8 : memref<!tpu.dma_semaphore, #tpu.memory_space<semaphore_mem>>) src(%dma_wait3A_120 : memref<2048x32xf32, #tpu.memory_space<hbm>>) dst(%dma_wait3A_114 : memref<128x32xf32, #tpu.memory_space<vmem>>)
    %mul3A_121 = arith.constant 1024 : i32
    %mul3A_122 = arith.muli %add3A, %mul3A_121 : i32
    %add3A_123 = arith.constant 384 : i32
    %add3A_124 = arith.addi %mul3A_122, %add3A_123 : i32
    %run_scoped3A_125 = arith.constant 1 : i32
    "tpu.region"() ({
      %run_scoped3A_230 = tpu.sem_alloc : memref<!tpu.dma_semaphore, #tpu.memory_space<semaphore_mem>>
      %dma_start3A_231 = arith.constant 0 : i32
      %dma_start3A_232 = arith.constant 0 : i32
      %dma_start3A_233 = tpu.memref_slice %arg6[%run_scoped3A_125, %dma_start3A_231, %dma_start3A_232] : memref<2x128x32xf32, #tpu.memory_space<vmem>> -> memref<1x128x32xf32, #tpu.memory_space<vmem>>
      %dma_start3A_234 = tpu.memref_squeeze %dma_start3A_233 : memref<1x128x32xf32, #tpu.memory_space<vmem>> -> memref<128x32xf32, #tpu.memory_space<vmem>>
      %dma_start3A_235 = arith.constant 0 : i32
      %dma_start3A_236 = tpu.memref_slice %arg4[%add3A_124, %dma_start3A_235] : memref<32768x32xf32, #tpu.memory_space<hbm>> -> memref<128x32xf32, #tpu.memory_space<hbm>>
      %dma_start3A_237 = arith.constant 0 : i32
      %dma_start3A_238 = tpu.memref_slice %arg4[%add3A_124, %dma_start3A_237] : memref<32768x32xf32, #tpu.memory_space<hbm>> -> memref<128x32xf32, #tpu.memory_space<hbm>>
      %dma_start3A_239 = arith.constant 0 : i32
      %dma_start3A_240 = arith.constant 0 : i32
      %dma_start3A_241 = tpu.memref_slice %arg6[%run_scoped3A_125, %dma_start3A_239, %dma_start3A_240] : memref<2x128x32xf32, #tpu.memory_space<vmem>> -> memref<1x128x32xf32, #tpu.memory_space<vmem>>
      %dma_start3A_242 = tpu.memref_squeeze %dma_start3A_241 : memref<1x128x32xf32, #tpu.memory_space<vmem>> -> memref<128x32xf32, #tpu.memory_space<vmem>>
      tpu.enqueue_dma source(%dma_start3A_242 : memref<128x32xf32, #tpu.memory_space<vmem>>) target(%dma_start3A_238 : memref<128x32xf32, #tpu.memory_space<hbm>>) target_semaphore(%run_scoped3A_230 : memref<!tpu.dma_semaphore, #tpu.memory_space<semaphore_mem>>)
      %dma_wait3A_243 = arith.constant 0 : i32
      %dma_wait3A_244 = arith.constant 0 : i32
      %dma_wait3A_245 = tpu.memref_slice %arg6[%run_scoped3A_125, %dma_wait3A_243, %dma_wait3A_244] : memref<2x128x32xf32, #tpu.memory_space<vmem>> -> memref<1x128x32xf32, #tpu.memory_space<vmem>>
      %dma_wait3A_246 = tpu.memref_squeeze %dma_wait3A_245 : memref<1x128x32xf32, #tpu.memory_space<vmem>> -> memref<128x32xf32, #tpu.memory_space<vmem>>
      %dma_wait3A_247 = arith.constant 0 : i32
      %dma_wait3A_248 = tpu.memref_slice %arg4[%add3A_124, %dma_wait3A_247] : memref<32768x32xf32, #tpu.memory_space<hbm>> -> memref<128x32xf32, #tpu.memory_space<hbm>>
      %dma_wait3A_249 = arith.constant 0 : i32
      %dma_wait3A_250 = tpu.memref_slice %arg4[%add3A_124, %dma_wait3A_249] : memref<32768x32xf32, #tpu.memory_space<hbm>> -> memref<128x32xf32, #tpu.memory_space<hbm>>
      %dma_wait3A_251 = arith.constant 0 : i32
      %dma_wait3A_252 = arith.constant 0 : i32
      %dma_wait3A_253 = tpu.memref_slice %arg6[%run_scoped3A_125, %dma_wait3A_251, %dma_wait3A_252] : memref<2x128x32xf32, #tpu.memory_space<vmem>> -> memref<1x128x32xf32, #tpu.memory_space<vmem>>
      %dma_wait3A_254 = tpu.memref_squeeze %dma_wait3A_253 : memref<1x128x32xf32, #tpu.memory_space<vmem>> -> memref<128x32xf32, #tpu.memory_space<vmem>>
      tpu.wait_dma2 semaphore(%run_scoped3A_230 : memref<!tpu.dma_semaphore, #tpu.memory_space<semaphore_mem>>) src(%dma_wait3A_254 : memref<128x32xf32, #tpu.memory_space<vmem>>) dst(%dma_wait3A_250 : memref<128x32xf32, #tpu.memory_space<hbm>>)
      tpu.yield
    }) : () -> ()
    %dma_start3A_126 = arith.constant 5 : i32
    %dma_start3A_127 = arith.constant 1 : i32
    %dma_start3A_128 = arith.constant 0 : i32
    %dma_start3A_129 = arith.constant 0 : i32
    %dma_start3A_130 = tpu.memref_slice %arg6[%dma_start3A_127, %dma_start3A_128, %dma_start3A_129] : memref<2x128x32xf32, #tpu.memory_space<vmem>> -> memref<1x128x32xf32, #tpu.memory_space<vmem>>
    %dma_start3A_131 = tpu.memref_squeeze %dma_start3A_130 : memref<1x128x32xf32, #tpu.memory_space<vmem>> -> memref<128x32xf32, #tpu.memory_space<vmem>>
    %dma_start3A_132 = arith.constant 0 : i32
    %dma_start3A_133 = tpu.memref_slice %arg5[%dma_start3A_126, %dma_start3A_132] : memref<8x128xi32, #tpu.memory_space<vmem>> -> memref<1x128xi32, #tpu.memory_space<vmem>>
    %dma_start3A_134 = tpu.memref_squeeze %dma_start3A_133 : memref<1x128xi32, #tpu.memory_space<vmem>> -> memref<128xi32, #tpu.memory_space<vmem>>
    %dma_start3A_135 = arith.constant 0 : i32
    %dma_start3A_136 = arith.constant 0 : i32
    %dma_start3A_137 = tpu.memref_slice %arg2[%dma_start3A_135, %dma_start3A_136] : memref<2048x32xf32, #tpu.memory_space<hbm>> -> memref<2048x32xf32, #tpu.memory_space<hbm>>
    tpu.enqueue_indirect_dma source(%dma_start3A_137 : memref<2048x32xf32, #tpu.memory_space<hbm>>) target(%dma_start3A_131 : memref<128x32xf32, #tpu.memory_space<vmem>>) offsets(%dma_start3A_134 : memref<128xi32, #tpu.memory_space<vmem>>) semaphore(%arg8 : memref<!tpu.dma_semaphore, #tpu.memory_space<semaphore_mem>>)
    %dma_wait3A_138 = arith.constant 4 : i32
    %dma_wait3A_139 = arith.constant 0 : i32
    %dma_wait3A_140 = arith.constant 0 : i32
    %dma_wait3A_141 = arith.constant 0 : i32
    %dma_wait3A_142 = tpu.memref_slice %arg6[%dma_wait3A_139, %dma_wait3A_140, %dma_wait3A_141] : memref<2x128x32xf32, #tpu.memory_space<vmem>> -> memref<1x128x32xf32, #tpu.memory_space<vmem>>
    %dma_wait3A_143 = tpu.memref_squeeze %dma_wait3A_142 : memref<1x128x32xf32, #tpu.memory_space<vmem>> -> memref<128x32xf32, #tpu.memory_space<vmem>>
    %dma_wait3A_144 = arith.constant 0 : i32
    %dma_wait3A_145 = tpu.memref_slice %arg5[%dma_wait3A_138, %dma_wait3A_144] : memref<8x128xi32, #tpu.memory_space<vmem>> -> memref<1x128xi32, #tpu.memory_space<vmem>>
    %dma_wait3A_146 = tpu.memref_squeeze %dma_wait3A_145 : memref<1x128xi32, #tpu.memory_space<vmem>> -> memref<128xi32, #tpu.memory_space<vmem>>
    %dma_wait3A_147 = arith.constant 0 : i32
    %dma_wait3A_148 = arith.constant 0 : i32
    %dma_wait3A_149 = tpu.memref_slice %arg2[%dma_wait3A_147, %dma_wait3A_148] : memref<2048x32xf32, #tpu.memory_space<hbm>> -> memref<2048x32xf32, #tpu.memory_space<hbm>>
    tpu.wait_indirect_dma semaphore(%arg7 : memref<!tpu.dma_semaphore, #tpu.memory_space<semaphore_mem>>) src(%dma_wait3A_149 : memref<2048x32xf32, #tpu.memory_space<hbm>>) dst(%dma_wait3A_143 : memref<128x32xf32, #tpu.memory_space<vmem>>)
    %mul3A_150 = arith.constant 1024 : i32
    %mul3A_151 = arith.muli %add3A, %mul3A_150 : i32
    %add3A_152 = arith.constant 512 : i32
    %add3A_153 = arith.addi %mul3A_151, %add3A_152 : i32
    %run_scoped3A_154 = arith.constant 0 : i32
    "tpu.region"() ({
      %run_scoped3A_230 = tpu.sem_alloc : memref<!tpu.dma_semaphore, #tpu.memory_space<semaphore_mem>>
      %dma_start3A_231 = arith.constant 0 : i32
      %dma_start3A_232 = arith.constant 0 : i32
      %dma_start3A_233 = tpu.memref_slice %arg6[%run_scoped3A_154, %dma_start3A_231, %dma_start3A_232] : memref<2x128x32xf32, #tpu.memory_space<vmem>> -> memref<1x128x32xf32, #tpu.memory_space<vmem>>
      %dma_start3A_234 = tpu.memref_squeeze %dma_start3A_233 : memref<1x128x32xf32, #tpu.memory_space<vmem>> -> memref<128x32xf32, #tpu.memory_space<vmem>>
      %dma_start3A_235 = arith.constant 0 : i32
      %dma_start3A_236 = tpu.memref_slice %arg4[%add3A_153, %dma_start3A_235] : memref<32768x32xf32, #tpu.memory_space<hbm>> -> memref<128x32xf32, #tpu.memory_space<hbm>>
      %dma_start3A_237 = arith.constant 0 : i32
      %dma_start3A_238 = tpu.memref_slice %arg4[%add3A_153, %dma_start3A_237] : memref<32768x32xf32, #tpu.memory_space<hbm>> -> memref<128x32xf32, #tpu.memory_space<hbm>>
      %dma_start3A_239 = arith.constant 0 : i32
      %dma_start3A_240 = arith.constant 0 : i32
      %dma_start3A_241 = tpu.memref_slice %arg6[%run_scoped3A_154, %dma_start3A_239, %dma_start3A_240] : memref<2x128x32xf32, #tpu.memory_space<vmem>> -> memref<1x128x32xf32, #tpu.memory_space<vmem>>
      %dma_start3A_242 = tpu.memref_squeeze %dma_start3A_241 : memref<1x128x32xf32, #tpu.memory_space<vmem>> -> memref<128x32xf32, #tpu.memory_space<vmem>>
      tpu.enqueue_dma source(%dma_start3A_242 : memref<128x32xf32, #tpu.memory_space<vmem>>) target(%dma_start3A_238 : memref<128x32xf32, #tpu.memory_space<hbm>>) target_semaphore(%run_scoped3A_230 : memref<!tpu.dma_semaphore, #tpu.memory_space<semaphore_mem>>)
      %dma_wait3A_243 = arith.constant 0 : i32
      %dma_wait3A_244 = arith.constant 0 : i32
      %dma_wait3A_245 = tpu.memref_slice %arg6[%run_scoped3A_154, %dma_wait3A_243, %dma_wait3A_244] : memref<2x128x32xf32, #tpu.memory_space<vmem>> -> memref<1x128x32xf32, #tpu.memory_space<vmem>>
      %dma_wait3A_246 = tpu.memref_squeeze %dma_wait3A_245 : memref<1x128x32xf32, #tpu.memory_space<vmem>> -> memref<128x32xf32, #tpu.memory_space<vmem>>
      %dma_wait3A_247 = arith.constant 0 : i32
      %dma_wait3A_248 = tpu.memref_slice %arg4[%add3A_153, %dma_wait3A_247] : memref<32768x32xf32, #tpu.memory_space<hbm>> -> memref<128x32xf32, #tpu.memory_space<hbm>>
      %dma_wait3A_249 = arith.constant 0 : i32
      %dma_wait3A_250 = tpu.memref_slice %arg4[%add3A_153, %dma_wait3A_249] : memref<32768x32xf32, #tpu.memory_space<hbm>> -> memref<128x32xf32, #tpu.memory_space<hbm>>
      %dma_wait3A_251 = arith.constant 0 : i32
      %dma_wait3A_252 = arith.constant 0 : i32
      %dma_wait3A_253 = tpu.memref_slice %arg6[%run_scoped3A_154, %dma_wait3A_251, %dma_wait3A_252] : memref<2x128x32xf32, #tpu.memory_space<vmem>> -> memref<1x128x32xf32, #tpu.memory_space<vmem>>
      %dma_wait3A_254 = tpu.memref_squeeze %dma_wait3A_253 : memref<1x128x32xf32, #tpu.memory_space<vmem>> -> memref<128x32xf32, #tpu.memory_space<vmem>>
      tpu.wait_dma2 semaphore(%run_scoped3A_230 : memref<!tpu.dma_semaphore, #tpu.memory_space<semaphore_mem>>) src(%dma_wait3A_254 : memref<128x32xf32, #tpu.memory_space<vmem>>) dst(%dma_wait3A_250 : memref<128x32xf32, #tpu.memory_space<hbm>>)
      tpu.yield
    }) : () -> ()
    %dma_start3A_155 = arith.constant 6 : i32
    %dma_start3A_156 = arith.constant 0 : i32
    %dma_start3A_157 = arith.constant 0 : i32
    %dma_start3A_158 = arith.constant 0 : i32
    %dma_start3A_159 = tpu.memref_slice %arg6[%dma_start3A_156, %dma_start3A_157, %dma_start3A_158] : memref<2x128x32xf32, #tpu.memory_space<vmem>> -> memref<1x128x32xf32, #tpu.memory_space<vmem>>
    %dma_start3A_160 = tpu.memref_squeeze %dma_start3A_159 : memref<1x128x32xf32, #tpu.memory_space<vmem>> -> memref<128x32xf32, #tpu.memory_space<vmem>>
    %dma_start3A_161 = arith.constant 0 : i32
    %dma_start3A_162 = tpu.memref_slice %arg5[%dma_start3A_155, %dma_start3A_161] : memref<8x128xi32, #tpu.memory_space<vmem>> -> memref<1x128xi32, #tpu.memory_space<vmem>>
    %dma_start3A_163 = tpu.memref_squeeze %dma_start3A_162 : memref<1x128xi32, #tpu.memory_space<vmem>> -> memref<128xi32, #tpu.memory_space<vmem>>
    %dma_start3A_164 = arith.constant 0 : i32
    %dma_start3A_165 = arith.constant 0 : i32
    %dma_start3A_166 = tpu.memref_slice %arg2[%dma_start3A_164, %dma_start3A_165] : memref<2048x32xf32, #tpu.memory_space<hbm>> -> memref<2048x32xf32, #tpu.memory_space<hbm>>
    tpu.enqueue_indirect_dma source(%dma_start3A_166 : memref<2048x32xf32, #tpu.memory_space<hbm>>) target(%dma_start3A_160 : memref<128x32xf32, #tpu.memory_space<vmem>>) offsets(%dma_start3A_163 : memref<128xi32, #tpu.memory_space<vmem>>) semaphore(%arg7 : memref<!tpu.dma_semaphore, #tpu.memory_space<semaphore_mem>>)
    %dma_wait3A_167 = arith.constant 5 : i32
    %dma_wait3A_168 = arith.constant 1 : i32
    %dma_wait3A_169 = arith.constant 0 : i32
    %dma_wait3A_170 = arith.constant 0 : i32
    %dma_wait3A_171 = tpu.memref_slice %arg6[%dma_wait3A_168, %dma_wait3A_169, %dma_wait3A_170] : memref<2x128x32xf32, #tpu.memory_space<vmem>> -> memref<1x128x32xf32, #tpu.memory_space<vmem>>
    %dma_wait3A_172 = tpu.memref_squeeze %dma_wait3A_171 : memref<1x128x32xf32, #tpu.memory_space<vmem>> -> memref<128x32xf32, #tpu.memory_space<vmem>>
    %dma_wait3A_173 = arith.constant 0 : i32
    %dma_wait3A_174 = tpu.memref_slice %arg5[%dma_wait3A_167, %dma_wait3A_173] : memref<8x128xi32, #tpu.memory_space<vmem>> -> memref<1x128xi32, #tpu.memory_space<vmem>>
    %dma_wait3A_175 = tpu.memref_squeeze %dma_wait3A_174 : memref<1x128xi32, #tpu.memory_space<vmem>> -> memref<128xi32, #tpu.memory_space<vmem>>
    %dma_wait3A_176 = arith.constant 0 : i32
    %dma_wait3A_177 = arith.constant 0 : i32
    %dma_wait3A_178 = tpu.memref_slice %arg2[%dma_wait3A_176, %dma_wait3A_177] : memref<2048x32xf32, #tpu.memory_space<hbm>> -> memref<2048x32xf32, #tpu.memory_space<hbm>>
    tpu.wait_indirect_dma semaphore(%arg8 : memref<!tpu.dma_semaphore, #tpu.memory_space<semaphore_mem>>) src(%dma_wait3A_178 : memref<2048x32xf32, #tpu.memory_space<hbm>>) dst(%dma_wait3A_172 : memref<128x32xf32, #tpu.memory_space<vmem>>)
    %mul3A_179 = arith.constant 1024 : i32
    %mul3A_180 = arith.muli %add3A, %mul3A_179 : i32
    %add3A_181 = arith.constant 640 : i32
    %add3A_182 = arith.addi %mul3A_180, %add3A_181 : i32
    %run_scoped3A_183 = arith.constant 1 : i32
    "tpu.region"() ({
      %run_scoped3A_230 = tpu.sem_alloc : memref<!tpu.dma_semaphore, #tpu.memory_space<semaphore_mem>>
      %dma_start3A_231 = arith.constant 0 : i32
      %dma_start3A_232 = arith.constant 0 : i32
      %dma_start3A_233 = tpu.memref_slice %arg6[%run_scoped3A_183, %dma_start3A_231, %dma_start3A_232] : memref<2x128x32xf32, #tpu.memory_space<vmem>> -> memref<1x128x32xf32, #tpu.memory_space<vmem>>
      %dma_start3A_234 = tpu.memref_squeeze %dma_start3A_233 : memref<1x128x32xf32, #tpu.memory_space<vmem>> -> memref<128x32xf32, #tpu.memory_space<vmem>>
      %dma_start3A_235 = arith.constant 0 : i32
      %dma_start3A_236 = tpu.memref_slice %arg4[%add3A_182, %dma_start3A_235] : memref<32768x32xf32, #tpu.memory_space<hbm>> -> memref<128x32xf32, #tpu.memory_space<hbm>>
      %dma_start3A_237 = arith.constant 0 : i32
      %dma_start3A_238 = tpu.memref_slice %arg4[%add3A_182, %dma_start3A_237] : memref<32768x32xf32, #tpu.memory_space<hbm>> -> memref<128x32xf32, #tpu.memory_space<hbm>>
      %dma_start3A_239 = arith.constant 0 : i32
      %dma_start3A_240 = arith.constant 0 : i32
      %dma_start3A_241 = tpu.memref_slice %arg6[%run_scoped3A_183, %dma_start3A_239, %dma_start3A_240] : memref<2x128x32xf32, #tpu.memory_space<vmem>> -> memref<1x128x32xf32, #tpu.memory_space<vmem>>
      %dma_start3A_242 = tpu.memref_squeeze %dma_start3A_241 : memref<1x128x32xf32, #tpu.memory_space<vmem>> -> memref<128x32xf32, #tpu.memory_space<vmem>>
      tpu.enqueue_dma source(%dma_start3A_242 : memref<128x32xf32, #tpu.memory_space<vmem>>) target(%dma_start3A_238 : memref<128x32xf32, #tpu.memory_space<hbm>>) target_semaphore(%run_scoped3A_230 : memref<!tpu.dma_semaphore, #tpu.memory_space<semaphore_mem>>)
      %dma_wait3A_243 = arith.constant 0 : i32
      %dma_wait3A_244 = arith.constant 0 : i32
      %dma_wait3A_245 = tpu.memref_slice %arg6[%run_scoped3A_183, %dma_wait3A_243, %dma_wait3A_244] : memref<2x128x32xf32, #tpu.memory_space<vmem>> -> memref<1x128x32xf32, #tpu.memory_space<vmem>>
      %dma_wait3A_246 = tpu.memref_squeeze %dma_wait3A_245 : memref<1x128x32xf32, #tpu.memory_space<vmem>> -> memref<128x32xf32, #tpu.memory_space<vmem>>
      %dma_wait3A_247 = arith.constant 0 : i32
      %dma_wait3A_248 = tpu.memref_slice %arg4[%add3A_182, %dma_wait3A_247] : memref<32768x32xf32, #tpu.memory_space<hbm>> -> memref<128x32xf32, #tpu.memory_space<hbm>>
      %dma_wait3A_249 = arith.constant 0 : i32
      %dma_wait3A_250 = tpu.memref_slice %arg4[%add3A_182, %dma_wait3A_249] : memref<32768x32xf32, #tpu.memory_space<hbm>> -> memref<128x32xf32, #tpu.memory_space<hbm>>
      %dma_wait3A_251 = arith.constant 0 : i32
      %dma_wait3A_252 = arith.constant 0 : i32
      %dma_wait3A_253 = tpu.memref_slice %arg6[%run_scoped3A_183, %dma_wait3A_251, %dma_wait3A_252] : memref<2x128x32xf32, #tpu.memory_space<vmem>> -> memref<1x128x32xf32, #tpu.memory_space<vmem>>
      %dma_wait3A_254 = tpu.memref_squeeze %dma_wait3A_253 : memref<1x128x32xf32, #tpu.memory_space<vmem>> -> memref<128x32xf32, #tpu.memory_space<vmem>>
      tpu.wait_dma2 semaphore(%run_scoped3A_230 : memref<!tpu.dma_semaphore, #tpu.memory_space<semaphore_mem>>) src(%dma_wait3A_254 : memref<128x32xf32, #tpu.memory_space<vmem>>) dst(%dma_wait3A_250 : memref<128x32xf32, #tpu.memory_space<hbm>>)
      tpu.yield
    }) : () -> ()
    %dma_start3A_184 = arith.constant 7 : i32
    %dma_start3A_185 = arith.constant 1 : i32
    %dma_start3A_186 = arith.constant 0 : i32
    %dma_start3A_187 = arith.constant 0 : i32
    %dma_start3A_188 = tpu.memref_slice %arg6[%dma_start3A_185, %dma_start3A_186, %dma_start3A_187] : memref<2x128x32xf32, #tpu.memory_space<vmem>> -> memref<1x128x32xf32, #tpu.memory_space<vmem>>
    %dma_start3A_189 = tpu.memref_squeeze %dma_start3A_188 : memref<1x128x32xf32, #tpu.memory_space<vmem>> -> memref<128x32xf32, #tpu.memory_space<vmem>>
    %dma_start3A_190 = arith.constant 0 : i32
    %dma_start3A_191 = tpu.memref_slice %arg5[%dma_start3A_184, %dma_start3A_190] : memref<8x128xi32, #tpu.memory_space<vmem>> -> memref<1x128xi32, #tpu.memory_space<vmem>>
    %dma_start3A_192 = tpu.memref_squeeze %dma_start3A_191 : memref<1x128xi32, #tpu.memory_space<vmem>> -> memref<128xi32, #tpu.memory_space<vmem>>
    %dma_start3A_193 = arith.constant 0 : i32
    %dma_start3A_194 = arith.constant 0 : i32
    %dma_start3A_195 = tpu.memref_slice %arg2[%dma_start3A_193, %dma_start3A_194] : memref<2048x32xf32, #tpu.memory_space<hbm>> -> memref<2048x32xf32, #tpu.memory_space<hbm>>
    tpu.enqueue_indirect_dma source(%dma_start3A_195 : memref<2048x32xf32, #tpu.memory_space<hbm>>) target(%dma_start3A_189 : memref<128x32xf32, #tpu.memory_space<vmem>>) offsets(%dma_start3A_192 : memref<128xi32, #tpu.memory_space<vmem>>) semaphore(%arg8 : memref<!tpu.dma_semaphore, #tpu.memory_space<semaphore_mem>>)
    %dma_wait3A_196 = arith.constant 6 : i32
    %dma_wait3A_197 = arith.constant 0 : i32
    %dma_wait3A_198 = arith.constant 0 : i32
    %dma_wait3A_199 = arith.constant 0 : i32
    %dma_wait3A_200 = tpu.memref_slice %arg6[%dma_wait3A_197, %dma_wait3A_198, %dma_wait3A_199] : memref<2x128x32xf32, #tpu.memory_space<vmem>> -> memref<1x128x32xf32, #tpu.memory_space<vmem>>
    %dma_wait3A_201 = tpu.memref_squeeze %dma_wait3A_200 : memref<1x128x32xf32, #tpu.memory_space<vmem>> -> memref<128x32xf32, #tpu.memory_space<vmem>>
    %dma_wait3A_202 = arith.constant 0 : i32
    %dma_wait3A_203 = tpu.memref_slice %arg5[%dma_wait3A_196, %dma_wait3A_202] : memref<8x128xi32, #tpu.memory_space<vmem>> -> memref<1x128xi32, #tpu.memory_space<vmem>>
    %dma_wait3A_204 = tpu.memref_squeeze %dma_wait3A_203 : memref<1x128xi32, #tpu.memory_space<vmem>> -> memref<128xi32, #tpu.memory_space<vmem>>
    %dma_wait3A_205 = arith.constant 0 : i32
    %dma_wait3A_206 = arith.constant 0 : i32
    %dma_wait3A_207 = tpu.memref_slice %arg2[%dma_wait3A_205, %dma_wait3A_206] : memref<2048x32xf32, #tpu.memory_space<hbm>> -> memref<2048x32xf32, #tpu.memory_space<hbm>>
    tpu.wait_indirect_dma semaphore(%arg7 : memref<!tpu.dma_semaphore, #tpu.memory_space<semaphore_mem>>) src(%dma_wait3A_207 : memref<2048x32xf32, #tpu.memory_space<hbm>>) dst(%dma_wait3A_201 : memref<128x32xf32, #tpu.memory_space<vmem>>)
    %mul3A_208 = arith.constant 1024 : i32
    %mul3A_209 = arith.muli %add3A, %mul3A_208 : i32
    %add3A_210 = arith.constant 768 : i32
    %add3A_211 = arith.addi %mul3A_209, %add3A_210 : i32
    %run_scoped3A_212 = arith.constant 0 : i32
    "tpu.region"() ({
      %run_scoped3A_230 = tpu.sem_alloc : memref<!tpu.dma_semaphore, #tpu.memory_space<semaphore_mem>>
      %dma_start3A_231 = arith.constant 0 : i32
      %dma_start3A_232 = arith.constant 0 : i32
      %dma_start3A_233 = tpu.memref_slice %arg6[%run_scoped3A_212, %dma_start3A_231, %dma_start3A_232] : memref<2x128x32xf32, #tpu.memory_space<vmem>> -> memref<1x128x32xf32, #tpu.memory_space<vmem>>
      %dma_start3A_234 = tpu.memref_squeeze %dma_start3A_233 : memref<1x128x32xf32, #tpu.memory_space<vmem>> -> memref<128x32xf32, #tpu.memory_space<vmem>>
      %dma_start3A_235 = arith.constant 0 : i32
      %dma_start3A_236 = tpu.memref_slice %arg4[%add3A_211, %dma_start3A_235] : memref<32768x32xf32, #tpu.memory_space<hbm>> -> memref<128x32xf32, #tpu.memory_space<hbm>>
      %dma_start3A_237 = arith.constant 0 : i32
      %dma_start3A_238 = tpu.memref_slice %arg4[%add3A_211, %dma_start3A_237] : memref<32768x32xf32, #tpu.memory_space<hbm>> -> memref<128x32xf32, #tpu.memory_space<hbm>>
      %dma_start3A_239 = arith.constant 0 : i32
      %dma_start3A_240 = arith.constant 0 : i32
      %dma_start3A_241 = tpu.memref_slice %arg6[%run_scoped3A_212, %dma_start3A_239, %dma_start3A_240] : memref<2x128x32xf32, #tpu.memory_space<vmem>> -> memref<1x128x32xf32, #tpu.memory_space<vmem>>
      %dma_start3A_242 = tpu.memref_squeeze %dma_start3A_241 : memref<1x128x32xf32, #tpu.memory_space<vmem>> -> memref<128x32xf32, #tpu.memory_space<vmem>>
      tpu.enqueue_dma source(%dma_start3A_242 : memref<128x32xf32, #tpu.memory_space<vmem>>) target(%dma_start3A_238 : memref<128x32xf32, #tpu.memory_space<hbm>>) target_semaphore(%run_scoped3A_230 : memref<!tpu.dma_semaphore, #tpu.memory_space<semaphore_mem>>)
      %dma_wait3A_243 = arith.constant 0 : i32
      %dma_wait3A_244 = arith.constant 0 : i32
      %dma_wait3A_245 = tpu.memref_slice %arg6[%run_scoped3A_212, %dma_wait3A_243, %dma_wait3A_244] : memref<2x128x32xf32, #tpu.memory_space<vmem>> -> memref<1x128x32xf32, #tpu.memory_space<vmem>>
      %dma_wait3A_246 = tpu.memref_squeeze %dma_wait3A_245 : memref<1x128x32xf32, #tpu.memory_space<vmem>> -> memref<128x32xf32, #tpu.memory_space<vmem>>
      %dma_wait3A_247 = arith.constant 0 : i32
      %dma_wait3A_248 = tpu.memref_slice %arg4[%add3A_211, %dma_wait3A_247] : memref<32768x32xf32, #tpu.memory_space<hbm>> -> memref<128x32xf32, #tpu.memory_space<hbm>>
      %dma_wait3A_249 = arith.constant 0 : i32
      %dma_wait3A_250 = tpu.memref_slice %arg4[%add3A_211, %dma_wait3A_249] : memref<32768x32xf32, #tpu.memory_space<hbm>> -> memref<128x32xf32, #tpu.memory_space<hbm>>
      %dma_wait3A_251 = arith.constant 0 : i32
      %dma_wait3A_252 = arith.constant 0 : i32
      %dma_wait3A_253 = tpu.memref_slice %arg6[%run_scoped3A_212, %dma_wait3A_251, %dma_wait3A_252] : memref<2x128x32xf32, #tpu.memory_space<vmem>> -> memref<1x128x32xf32, #tpu.memory_space<vmem>>
      %dma_wait3A_254 = tpu.memref_squeeze %dma_wait3A_253 : memref<1x128x32xf32, #tpu.memory_space<vmem>> -> memref<128x32xf32, #tpu.memory_space<vmem>>
      tpu.wait_dma2 semaphore(%run_scoped3A_230 : memref<!tpu.dma_semaphore, #tpu.memory_space<semaphore_mem>>) src(%dma_wait3A_254 : memref<128x32xf32, #tpu.memory_space<vmem>>) dst(%dma_wait3A_250 : memref<128x32xf32, #tpu.memory_space<hbm>>)
      tpu.yield
    }) : () -> ()
    %dma_wait3A_213 = arith.constant 7 : i32
    %dma_wait3A_214 = arith.constant 1 : i32
    %dma_wait3A_215 = arith.constant 0 : i32
    %dma_wait3A_216 = arith.constant 0 : i32
    %dma_wait3A_217 = tpu.memref_slice %arg6[%dma_wait3A_214, %dma_wait3A_215, %dma_wait3A_216] : memref<2x128x32xf32, #tpu.memory_space<vmem>> -> memref<1x128x32xf32, #tpu.memory_space<vmem>>
    %dma_wait3A_218 = tpu.memref_squeeze %dma_wait3A_217 : memref<1x128x32xf32, #tpu.memory_space<vmem>> -> memref<128x32xf32, #tpu.memory_space<vmem>>
    %dma_wait3A_219 = arith.constant 0 : i32
    %dma_wait3A_220 = tpu.memref_slice %arg5[%dma_wait3A_213, %dma_wait3A_219] : memref<8x128xi32, #tpu.memory_space<vmem>> -> memref<1x128xi32, #tpu.memory_space<vmem>>
    %dma_wait3A_221 = tpu.memref_squeeze %dma_wait3A_220 : memref<1x128xi32, #tpu.memory_space<vmem>> -> memref<128xi32, #tpu.memory_space<vmem>>
    %dma_wait3A_222 = arith.constant 0 : i32
    %dma_wait3A_223 = arith.constant 0 : i32
    %dma_wait3A_224 = tpu.memref_slice %arg2[%dma_wait3A_222, %dma_wait3A_223] : memref<2048x32xf32, #tpu.memory_space<hbm>> -> memref<2048x32xf32, #tpu.memory_space<hbm>>
    tpu.wait_indirect_dma semaphore(%arg8 : memref<!tpu.dma_semaphore, #tpu.memory_space<semaphore_mem>>) src(%dma_wait3A_224 : memref<2048x32xf32, #tpu.memory_space<hbm>>) dst(%dma_wait3A_218 : memref<128x32xf32, #tpu.memory_space<vmem>>)
    %mul3A_225 = arith.constant 1024 : i32
    %mul3A_226 = arith.muli %add3A, %mul3A_225 : i32
    %add3A_227 = arith.constant 896 : i32
    %add3A_228 = arith.addi %mul3A_226, %add3A_227 : i32
    %run_scoped3A_229 = arith.constant 1 : i32
    "tpu.region"() ({
      %run_scoped3A_230 = tpu.sem_alloc : memref<!tpu.dma_semaphore, #tpu.memory_space<semaphore_mem>>
      %dma_start3A_231 = arith.constant 0 : i32
      %dma_start3A_232 = arith.constant 0 : i32
      %dma_start3A_233 = tpu.memref_slice %arg6[%run_scoped3A_229, %dma_start3A_231, %dma_start3A_232] : memref<2x128x32xf32, #tpu.memory_space<vmem>> -> memref<1x128x32xf32, #tpu.memory_space<vmem>>
      %dma_start3A_234 = tpu.memref_squeeze %dma_start3A_233 : memref<1x128x32xf32, #tpu.memory_space<vmem>> -> memref<128x32xf32, #tpu.memory_space<vmem>>
      %dma_start3A_235 = arith.constant 0 : i32
      %dma_start3A_236 = tpu.memref_slice %arg4[%add3A_228, %dma_start3A_235] : memref<32768x32xf32, #tpu.memory_space<hbm>> -> memref<128x32xf32, #tpu.memory_space<hbm>>
      %dma_start3A_237 = arith.constant 0 : i32
      %dma_start3A_238 = tpu.memref_slice %arg4[%add3A_228, %dma_start3A_237] : memref<32768x32xf32, #tpu.memory_space<hbm>> -> memref<128x32xf32, #tpu.memory_space<hbm>>
      %dma_start3A_239 = arith.constant 0 : i32
      %dma_start3A_240 = arith.constant 0 : i32
      %dma_start3A_241 = tpu.memref_slice %arg6[%run_scoped3A_229, %dma_start3A_239, %dma_start3A_240] : memref<2x128x32xf32, #tpu.memory_space<vmem>> -> memref<1x128x32xf32, #tpu.memory_space<vmem>>
      %dma_start3A_242 = tpu.memref_squeeze %dma_start3A_241 : memref<1x128x32xf32, #tpu.memory_space<vmem>> -> memref<128x32xf32, #tpu.memory_space<vmem>>
      tpu.enqueue_dma source(%dma_start3A_242 : memref<128x32xf32, #tpu.memory_space<vmem>>) target(%dma_start3A_238 : memref<128x32xf32, #tpu.memory_space<hbm>>) target_semaphore(%run_scoped3A_230 : memref<!tpu.dma_semaphore, #tpu.memory_space<semaphore_mem>>)
      %dma_wait3A_243 = arith.constant 0 : i32
      %dma_wait3A_244 = arith.constant 0 : i32
      %dma_wait3A_245 = tpu.memref_slice %arg6[%run_scoped3A_229, %dma_wait3A_243, %dma_wait3A_244] : memref<2x128x32xf32, #tpu.memory_space<vmem>> -> memref<1x128x32xf32, #tpu.memory_space<vmem>>
      %dma_wait3A_246 = tpu.memref_squeeze %dma_wait3A_245 : memref<1x128x32xf32, #tpu.memory_space<vmem>> -> memref<128x32xf32, #tpu.memory_space<vmem>>
      %dma_wait3A_247 = arith.constant 0 : i32
      %dma_wait3A_248 = tpu.memref_slice %arg4[%add3A_228, %dma_wait3A_247] : memref<32768x32xf32, #tpu.memory_space<hbm>> -> memref<128x32xf32, #tpu.memory_space<hbm>>
      %dma_wait3A_249 = arith.constant 0 : i32
      %dma_wait3A_250 = tpu.memref_slice %arg4[%add3A_228, %dma_wait3A_249] : memref<32768x32xf32, #tpu.memory_space<hbm>> -> memref<128x32xf32, #tpu.memory_space<hbm>>
      %dma_wait3A_251 = arith.constant 0 : i32
      %dma_wait3A_252 = arith.constant 0 : i32
      %dma_wait3A_253 = tpu.memref_slice %arg6[%run_scoped3A_229, %dma_wait3A_251, %dma_wait3A_252] : memref<2x128x32xf32, #tpu.memory_space<vmem>> -> memref<1x128x32xf32, #tpu.memory_space<vmem>>
      %dma_wait3A_254 = tpu.memref_squeeze %dma_wait3A_253 : memref<1x128x32xf32, #tpu.memory_space<vmem>> -> memref<128x32xf32, #tpu.memory_space<vmem>>
      tpu.wait_dma2 semaphore(%run_scoped3A_230 : memref<!tpu.dma_semaphore, #tpu.memory_space<semaphore_mem>>) src(%dma_wait3A_254 : memref<128x32xf32, #tpu.memory_space<vmem>>) dst(%dma_wait3A_250 : memref<128x32xf32, #tpu.memory_space<hbm>>)
      tpu.yield
    }) : () -> ()
    return
  }
}

module attributes {stable_mosaic.version = 14 : i64} {
  func.func @_msg_body(%arg0: i32, %arg1: memref<2048x16xf32, #tpu.memory_space<vmem>>, %arg2: memref<2048x32xf32, #tpu.memory_space<vmem>>, %arg3: memref<512x128xf32, #tpu.memory_space<vmem>>, %arg4: memref<32x128xf32, #tpu.memory_space<vmem>>, %arg5: memref<2048x128xf32, #tpu.memory_space<vmem>>) attributes {dimension_semantics = [#tpu.dimension_semantics<arbitrary>], iteration_bounds = array<i64: 16>, scalar_prefetch = 0 : i64, scratch_operands = 0 : i64, tpu.core_type = #tpu.core_type<tc>, window_params = [{transform_indices = @transform_0, window_bounds = array<i64: 2048, 16>}, {transform_indices = @transform_1, window_bounds = array<i64: 2048, 32>}, {pipeline_mode = #tpu.pipeline_mode<synchronous>, transform_indices = @transform_2, window_bounds = array<i64: 512, 128>}, {pipeline_mode = #tpu.pipeline_mode<synchronous>, transform_indices = @transform_3, window_bounds = array<i64: 32, 128>}, {transform_indices = @transform_4, window_bounds = array<i64: 2048, 128>}]} {
    %get3A = arith.constant 0 : index
    %get3A_0 = arith.constant 0 : index
    %get3A_1 = vector.load %arg1[%get3A, %get3A_0] : memref<2048x16xf32, #tpu.memory_space<vmem>>, vector<2048x16xf32>
    %get3A_2 = arith.constant 0 : index
    %get3A_3 = arith.constant 0 : index
    %get3A_4 = vector.load %arg2[%get3A_2, %get3A_3] : memref<2048x32xf32, #tpu.memory_space<vmem>>, vector<2048x32xf32>
    %iota3A = tpu.iota {dimensions = array<i32: 1>} : vector<16x512xi32>
    %iota3A_5 = tpu.iota {dimensions = array<i32: 0>} : vector<16x512xi32>
    %jit3A = arith.constant 32 : i32
    %div3A = vector.broadcast %jit3A : i32 to vector<16x512xi32>
    %div3A_6 = arith.divsi %iota3A, %div3A : vector<16x512xi32>
    %sign3A = arith.constant 0 : i32
    %sign3A_7 = vector.broadcast %sign3A : i32 to vector<16x512xi32>
    %sign3A_8 = arith.cmpi sgt, %iota3A, %sign3A_7 : vector<16x512xi32>
    %sign3A_9 = arith.extui %sign3A_8 : vector<16x512xi1> to vector<16x512xi32>
    %sign3A_10 = arith.constant 0 : i32
    %sign3A_11 = vector.broadcast %sign3A_10 : i32 to vector<16x512xi32>
    %sign3A_12 = arith.cmpi slt, %iota3A, %sign3A_11 : vector<16x512xi32>
    %sign3A_13 = arith.extui %sign3A_12 : vector<16x512xi1> to vector<16x512xi32>
    %sign3A_14 = arith.subi %sign3A_9, %sign3A_13 : vector<16x512xi32>
    %sign3A_15 = arith.constant 0 : i32
    %sign3A_16 = arith.cmpi sgt, %jit3A, %sign3A_15 : i32
    %sign3A_17 = arith.extui %sign3A_16 : i1 to i32
    %sign3A_18 = arith.constant 0 : i32
    %sign3A_19 = arith.cmpi slt, %jit3A, %sign3A_18 : i32
    %sign3A_20 = arith.extui %sign3A_19 : i1 to i32
    %sign3A_21 = arith.subi %sign3A_17, %sign3A_20 : i32
    %ne3A = vector.broadcast %sign3A_21 : i32 to vector<16x512xi32>
    %ne3A_22 = arith.cmpi ne, %sign3A_14, %ne3A : vector<16x512xi32>
    %rem3A = vector.broadcast %jit3A : i32 to vector<16x512xi32>
    %rem3A_23 = arith.remsi %iota3A, %rem3A : vector<16x512xi32>
    %ne3A_24 = arith.constant 0 : i32
    %ne3A_25 = vector.broadcast %ne3A_24 : i32 to vector<16x512xi32>
    %ne3A_26 = arith.cmpi ne, %rem3A_23, %ne3A_25 : vector<16x512xi32>
    %and3A = arith.andi %ne3A_22, %ne3A_26 : vector<16x512xi1>
    %sub3A = arith.constant 1 : i32
    %sub3A_27 = vector.broadcast %sub3A : i32 to vector<16x512xi32>
    %sub3A_28 = arith.subi %div3A_6, %sub3A_27 : vector<16x512xi32>
    %select_n3A = arith.select %and3A, %sub3A_28, %div3A_6 : vector<16x512xi1>, vector<16x512xi32>
    %eq3A = arith.cmpi eq, %select_n3A, %iota3A_5 : vector<16x512xi32>
    %convert_element_type3A = arith.extui %eq3A : vector<16x512xi1> to vector<16x512xi32>
    %convert_element_type3A_29 = arith.sitofp %convert_element_type3A : vector<16x512xi32> to vector<16x512xf32>
    %iota3A_30 = tpu.iota {dimensions = array<i32: 1>} : vector<32x512xi32>
    %iota3A_31 = tpu.iota {dimensions = array<i32: 0>} : vector<32x512xi32>
    %jit3A_32 = arith.constant 32 : i32
    %eq3A_33 = arith.constant 0 : i32
    %eq3A_34 = arith.cmpi eq, %jit3A_32, %eq3A_33 : i32
    %jit3A_35 = arith.constant 1 : i32
    %select_n3A_36 = arith.select %eq3A_34, %jit3A_35, %jit3A_32 : i32
    %rem3A_37 = vector.broadcast %select_n3A_36 : i32 to vector<32x512xi32>
    %rem3A_38 = arith.remsi %iota3A_30, %rem3A_37 : vector<32x512xi32>
    %ne3A_39 = arith.constant 0 : i32
    %ne3A_40 = vector.broadcast %ne3A_39 : i32 to vector<32x512xi32>
    %ne3A_41 = arith.cmpi ne, %rem3A_38, %ne3A_40 : vector<32x512xi32>
    %lt3A = arith.constant 0 : i32
    %lt3A_42 = vector.broadcast %lt3A : i32 to vector<32x512xi32>
    %lt3A_43 = arith.cmpi slt, %rem3A_38, %lt3A_42 : vector<32x512xi32>
    %lt3A_44 = arith.constant 0 : i32
    %lt3A_45 = arith.cmpi slt, %select_n3A_36, %lt3A_44 : i32
    %ne3A_46 = vector.broadcast %lt3A_45 : i1 to vector<32x512xi1>
    %ne3A_47 = vector.broadcast %ne3A_46 : vector<32x512xi1> to vector<32x512xi1>
    %ne3A_48 = arith.xori %lt3A_43, %ne3A_47 : vector<32x512xi1>
    %and3A_49 = arith.andi %ne3A_48, %ne3A_41 : vector<32x512xi1>
    %add3A = vector.broadcast %select_n3A_36 : i32 to vector<32x512xi32>
    %add3A_50 = arith.addi %rem3A_38, %add3A : vector<32x512xi32>
    %select_n3A_51 = arith.select %and3A_49, %add3A_50, %rem3A_38 : vector<32x512xi1>, vector<32x512xi32>
    %eq3A_52 = arith.cmpi eq, %select_n3A_51, %iota3A_31 : vector<32x512xi32>
    %convert_element_type3A_53 = arith.extui %eq3A_52 : vector<32x512xi1> to vector<32x512xi32>
    %convert_element_type3A_54 = arith.sitofp %convert_element_type3A_53 : vector<32x512xi32> to vector<32x512xf32>
    %dot_general3A = arith.constant dense<0.000000e+00> : vector<2048x512xf32>
    %dot_general3A_55 = tpu.matmul %get3A_1, %convert_element_type3A_29, %dot_general3A {dimension_numbers = #tpu.dot_dimension_numbers<[1], [0], [0], [1], [0, 0, 1, 1], [], []>, transpose_lhs_hint = false} : vector<2048x16xf32>, vector<16x512xf32>, vector<2048x512xf32> -> vector<2048x512xf32>
    %dot_general3A_56 = arith.constant dense<0.000000e+00> : vector<2048x512xf32>
    %dot_general3A_57 = tpu.matmul %get3A_4, %convert_element_type3A_54, %dot_general3A_56 {dimension_numbers = #tpu.dot_dimension_numbers<[1], [0], [0], [1], [0, 0, 1, 1], [], []>, transpose_lhs_hint = false} : vector<2048x32xf32>, vector<32x512xf32>, vector<2048x512xf32> -> vector<2048x512xf32>
    %mul3A = arith.mulf %dot_general3A_55, %dot_general3A_57 : vector<2048x512xf32>
    %get3A_58 = arith.constant 0 : index
    %get3A_59 = arith.constant 0 : index
    %get3A_60 = vector.load %arg3[%get3A_58, %get3A_59] : memref<512x128xf32, #tpu.memory_space<vmem>>, vector<512x128xf32>
    %dot_general3A_61 = arith.constant dense<0.000000e+00> : vector<2048x128xf32>
    %dot_general3A_62 = tpu.matmul %mul3A, %get3A_60, %dot_general3A_61 {dimension_numbers = #tpu.dot_dimension_numbers<[1], [0], [0], [1], [0, 0, 1, 1], [], []>, transpose_lhs_hint = false} : vector<2048x512xf32>, vector<512x128xf32>, vector<2048x128xf32> -> vector<2048x128xf32>
    %get3A_63 = arith.constant 0 : index
    %get3A_64 = arith.constant 0 : index
    %get3A_65 = vector.load %arg4[%get3A_63, %get3A_64] : memref<32x128xf32, #tpu.memory_space<vmem>>, vector<32x128xf32>
    %dot_general3A_66 = arith.constant dense<0.000000e+00> : vector<2048x128xf32>
    %dot_general3A_67 = tpu.matmul %get3A_4, %get3A_65, %dot_general3A_66 {dimension_numbers = #tpu.dot_dimension_numbers<[1], [0], [0], [1], [0, 0, 1, 1], [], []>, transpose_lhs_hint = false} : vector<2048x32xf32>, vector<32x128xf32>, vector<2048x128xf32> -> vector<2048x128xf32>
    %add3A_68 = arith.addf %dot_general3A_62, %dot_general3A_67 : vector<2048x128xf32>
    %swap3A = arith.constant 0 : index
    %swap3A_69 = arith.constant 0 : index
    %swap3A_70 = vector.load %arg5[%swap3A, %swap3A_69] : memref<2048x128xf32, #tpu.memory_space<vmem>>, vector<2048x128xf32>
    tpu.vector_store %arg5[%swap3A, %swap3A_69], %add3A_68 {strides = array<i32>} : memref<2048x128xf32, #tpu.memory_space<vmem>>, vector<2048x128xf32>,
    return
  }
  func.func @transform_0(%arg0: i32) -> (i32, i32) {
    %c0_i32 = arith.constant 0 : i32
    %c0_i32_0 = arith.constant 0 : i32
    return %arg0, %c0_i32 : i32, i32
  }
  func.func @transform_1(%arg0: i32) -> (i32, i32) {
    %c0_i32 = arith.constant 0 : i32
    %c0_i32_0 = arith.constant 0 : i32
    return %arg0, %c0_i32 : i32, i32
  }
  func.func @transform_2(%arg0: i32) -> (i32, i32) {
    %c0_i32 = arith.constant 0 : i32
    %c0_i32_0 = arith.constant 0 : i32
    %c0_i32_1 = arith.constant 0 : i32
    return %c0_i32, %c0_i32_0 : i32, i32
  }
  func.func @transform_3(%arg0: i32) -> (i32, i32) {
    %c0_i32 = arith.constant 0 : i32
    %c0_i32_0 = arith.constant 0 : i32
    %c0_i32_1 = arith.constant 0 : i32
    return %c0_i32, %c0_i32_0 : i32, i32
  }
  func.func @transform_4(%arg0: i32) -> (i32, i32) {
    %c0_i32 = arith.constant 0 : i32
    %c0_i32_0 = arith.constant 0 : i32
    return %arg0, %c0_i32 : i32, i32
  }
}

module attributes {stable_mosaic.version = 14 : i64} {
  func.func @_pool_body(%arg0: memref<2x2048x128xf32, #tpu.memory_space<vmem>>, %arg1: memref<1x128xf32, #tpu.memory_space<vmem>>, %arg2: memref<1x128xf32, #tpu.memory_space<vmem>>, %arg3: memref<1x1xf32, #tpu.memory_space<vmem>>, %arg4: memref<128x32xf32, #tpu.memory_space<vmem>>, %arg5: memref<1x32xf32, #tpu.memory_space<vmem>>, %arg6: memref<32x1xf32, #tpu.memory_space<vmem>>, %arg7: memref<1x1xf32, #tpu.memory_space<vmem>>, %arg8: memref<1x1xf32, #tpu.memory_space<vmem>>) attributes {dimension_semantics = [], scalar_prefetch = 0 : i64, scratch_operands = 0 : i64, tpu.core_type = #tpu.core_type<tc>} {
    %get3A = arith.constant 0 : index
    %get3A_0 = arith.constant 0 : index
    %get3A_1 = arith.constant 0 : index
    %get3A_2 = vector.load %arg0[%get3A, %get3A_0, %get3A_1] : memref<2x2048x128xf32, #tpu.memory_space<vmem>>, vector<1x2048x128xf32>
    %get3A_3 = vector.shape_cast %get3A_2 : vector<1x2048x128xf32> to vector<2048x128xf32>
    %get3A_4 = arith.constant 1 : index
    %get3A_5 = arith.constant 0 : index
    %get3A_6 = arith.constant 0 : index
    %get3A_7 = vector.load %arg0[%get3A_4, %get3A_5, %get3A_6] : memref<2x2048x128xf32, #tpu.memory_space<vmem>>, vector<1x2048x128xf32>
    %get3A_8 = vector.shape_cast %get3A_7 : vector<1x2048x128xf32> to vector<2048x128xf32>
    %add3A = arith.addf %get3A_3, %get3A_8 : vector<2048x128xf32>
    %get3A_9 = arith.constant 0 : index
    %get3A_10 = arith.constant 0 : index
    %get3A_11 = vector.load %arg1[%get3A_9, %get3A_10] : memref<1x128xf32, #tpu.memory_space<vmem>>, vector<1x128xf32>
    %add3A_12 = vector.broadcast %get3A_11 : vector<1x128xf32> to vector<2048x128xf32>
    %add3A_13 = arith.addf %add3A, %add3A_12 : vector<2048x128xf32>
    %get3A_14 = arith.constant 0 : index
    %get3A_15 = arith.constant 0 : index
    %get3A_16 = vector.load %arg2[%get3A_14, %get3A_15] : memref<1x128xf32, #tpu.memory_space<vmem>>, vector<1x128xf32>
    %mul3A = vector.broadcast %get3A_16 : vector<1x128xf32> to vector<2048x128xf32>
    %mul3A_17 = arith.mulf %add3A_13, %mul3A : vector<2048x128xf32>
    %reduce_sum3A = arith.constant dense<0.000000e+00> : vector<2048xf32>
    %reduce_sum3A_18 = vector.multi_reduction <add>, %mul3A_17, %reduce_sum3A [1] : vector<2048x128xf32> to vector<2048xf32>
    %broadcast_in_dim3A = vector.shape_cast %reduce_sum3A_18 : vector<2048xf32> to vector<2048x1xf32>
    %get3A_19 = arith.constant 0 : index
    %get3A_20 = arith.constant 0 : index
    %get3A_21 = vector.load %arg3[%get3A_19, %get3A_20] : memref<1x1xf32, #tpu.memory_space<vmem>>, vector<1x1xf32>
    %add3A_22 = vector.broadcast %get3A_21 : vector<1x1xf32> to vector<2048x1xf32>
    %add3A_23 = arith.addf %broadcast_in_dim3A, %add3A_22 : vector<2048x1xf32>
    %reduce_max3A = vector.shape_cast %add3A_23 : vector<2048x1xf32> to vector<1x2048x1xf32>
    %reduce_max3A_24 = arith.constant dense<0xFF800000> : vector<1xf32>
    %reduce_max3A_25 = vector.multi_reduction <maximumf>, %reduce_max3A, %reduce_max3A_24 [1, 2] : vector<1x2048x1xf32> to vector<1xf32>
    %reduce_max3A_26 = vector.shape_cast %reduce_max3A_25 : vector<1xf32> to vector<1x1x1xf32>
    %reduce_max3A_27 = vector.extract %reduce_max3A_26[0, 0, 0] : f32 from vector<1x1x1xf32>
    %sub3A = vector.broadcast %reduce_max3A_27 : f32 to vector<2048x1xf32>
    %sub3A_28 = arith.subf %add3A_23, %sub3A : vector<2048x1xf32>
    %exp3A = math.exp %sub3A_28 : vector<2048x1xf32>
    %reduce_sum3A_29 = vector.shape_cast %exp3A : vector<2048x1xf32> to vector<1x2048x1xf32>
    %reduce_sum3A_30 = arith.constant dense<0.000000e+00> : vector<1xf32>
    %reduce_sum3A_31 = vector.multi_reduction <add>, %reduce_sum3A_29, %reduce_sum3A_30 [1, 2] : vector<1x2048x1xf32> to vector<1xf32>
    %reduce_sum3A_32 = vector.shape_cast %reduce_sum3A_31 : vector<1xf32> to vector<1x1x1xf32>
    %reduce_sum3A_33 = vector.extract %reduce_sum3A_32[0, 0, 0] : f32 from vector<1x1x1xf32>
    %div3A = vector.broadcast %reduce_sum3A_33 : f32 to vector<2048x1xf32>
    %div3A_34 = arith.divf %exp3A, %div3A : vector<2048x1xf32>
    %mul3A_35 = vector.broadcast %div3A_34 : vector<2048x1xf32> to vector<2048x128xf32>
    %mul3A_36 = arith.mulf %mul3A_35, %add3A_13 : vector<2048x128xf32>
    %reduce_sum3A_37 = arith.constant dense<0.000000e+00> : vector<128xf32>
    %reduce_sum3A_38 = vector.multi_reduction <add>, %mul3A_36, %reduce_sum3A_37 [0] : vector<2048x128xf32> to vector<128xf32>
    %broadcast_in_dim3A_39 = vector.shape_cast %reduce_sum3A_38 : vector<128xf32> to vector<1x128xf32>
    %gt3A = arith.constant 0.000000e+00 : f32
    %gt3A_40 = vector.broadcast %gt3A : f32 to vector<1x128xf32>
    %gt3A_41 = arith.cmpf ogt, %broadcast_in_dim3A_39, %gt3A_40 : vector<1x128xf32>
    %exp3A_42 = math.exp %broadcast_in_dim3A_39 : vector<1x128xf32>
    %sub3A_43 = arith.constant 1.000000e+00 : f32
    %sub3A_44 = vector.broadcast %sub3A_43 : f32 to vector<1x128xf32>
    %sub3A_45 = arith.subf %exp3A_42, %sub3A_44 : vector<1x128xf32>
    %select_n3A = arith.select %gt3A_41, %broadcast_in_dim3A_39, %sub3A_45 : vector<1x128xi1>, vector<1x128xf32>
    %get3A_46 = arith.constant 0 : index
    %get3A_47 = arith.constant 0 : index
    %get3A_48 = vector.load %arg4[%get3A_46, %get3A_47] : memref<128x32xf32, #tpu.memory_space<vmem>>, vector<128x32xf32>
    %dot_general3A = arith.constant dense<0.000000e+00> : vector<1x32xf32>
    %dot_general3A_49 = tpu.matmul %select_n3A, %get3A_48, %dot_general3A {dimension_numbers = #tpu.dot_dimension_numbers<[1], [0], [0], [1], [0, 0, 1, 1], [], []>, transpose_lhs_hint = false} : vector<1x128xf32>, vector<128x32xf32>, vector<1x32xf32> -> vector<1x32xf32>
    %get3A_50 = arith.constant 0 : index
    %get3A_51 = arith.constant 0 : index
    %get3A_52 = vector.load %arg5[%get3A_50, %get3A_51] : memref<1x32xf32, #tpu.memory_space<vmem>>, vector<1x32xf32>
    %add3A_53 = arith.addf %dot_general3A_49, %get3A_52 : vector<1x32xf32>
    %max3A = arith.constant 0.000000e+00 : f32
    %max3A_54 = vector.broadcast %max3A : f32 to vector<1x32xf32>
    %max3A_55 = arith.maximumf %add3A_53, %max3A_54 : vector<1x32xf32>
    %get3A_56 = arith.constant 0 : index
    %get3A_57 = arith.constant 0 : index
    %get3A_58 = vector.load %arg6[%get3A_56, %get3A_57] : memref<32x1xf32, #tpu.memory_space<vmem>>, vector<32x1xf32>
    %dot_general3A_59 = arith.constant dense<0.000000e+00> : vector<1x1xf32>
    %dot_general3A_60 = tpu.matmul %max3A_55, %get3A_58, %dot_general3A_59 {dimension_numbers = #tpu.dot_dimension_numbers<[1], [0], [0], [1], [0, 0, 1, 1], [], []>, transpose_lhs_hint = false} : vector<1x32xf32>, vector<32x1xf32>, vector<1x1xf32> -> vector<1x1xf32>
    %get3A_61 = arith.constant 0 : index
    %get3A_62 = arith.constant 0 : index
    %get3A_63 = vector.load %arg7[%get3A_61, %get3A_62] : memref<1x1xf32, #tpu.memory_space<vmem>>, vector<1x1xf32>
    %add3A_64 = arith.addf %dot_general3A_60, %get3A_63 : vector<1x1xf32>
    %swap3A = arith.constant 0 : index
    %swap3A_65 = arith.constant 0 : index
    %swap3A_66 = vector.load %arg8[%swap3A, %swap3A_65] : memref<1x1xf32, #tpu.memory_space<vmem>>, vector<1x1xf32>
    tpu.vector_store %arg8[%swap3A, %swap3A_65], %add3A_64 {strides = array<i32>} : memref<1x1xf32, #tpu.memory_space<vmem>>, vector<1x1xf32>,
    return
  }
}

</mosaic_0001>

<sc_bundles>
// kernel: kernel.6.cloned.1.call-start
scs
__scs_entry_jumppad:
0x0: {  	(pc) =	sbr.rel $0x88, $3  }
0x1: {  	(tag) =	ssettag $0x0;
	lr =	simm.s32 $0x1  }
0x2: {  	[smem:$0x3F95] =	sst lr;
	_ =	strace $0xD0000000  }
0x3: {  	_ = 	snop  }
0x4: {  	_ = 	snop  }
0x5: {  	_ = 	snop  }
0x6: {  	_ = 	snop  }
0x7: {  	_ = 	snop  }
__scs_overlays_trampoline_lowered:
0x8: {  	[smem:$0x3FA4] =	sst s0  }
0x9: {  	[smem:$0x3FA5] =	sst s1  }
0xa: {  	[smem:$0x3FA6] =	sst s2  }
0xb: {  	[smem:$0x3FA7] =	sst s3  }
0xc: {  	[smem:$0x3FA8] =	sst s4  }
0xd: {  	[smem:$0x3FA9] =	sst s5  }
0xe: {  	[smem:$0x3FAA] =	sst s6  }
0xf: {  	[smem:$0x3FAB] =	sst s7  }
0x10: {  	[smem:$0x3FAC] =	sst s8  }
0x11: {  	[smem:$0x3FAD] =	sst s9;
	s0 =	simm.s32 @!p0 $0x0  }
0x12: {  	s1 =	sld [smem:$0x3F93];
	s0 =	simm.s32 @p0 $0x1  }
0x13: {  	[smem:$0x3FAE] =	sst s0;
	s0 =	simm.s32 @!p1 $0x0  }
0x14: {  	s2 =	sld [smem:$0x3F92];
	s0 =	simm.s32 @p1 $0x1  }
0x15: {  	[smem:$0x3FAF] =	sst s0;
	s0 =	simm.s32 @!p2 $0x0  }
0x16: {  	s3 =	sld [smem:$0x3FDB];
	s0 =	simm.s32 @p2 $0x1  }
0x17: {  	s4 =	simm.s32 $0x1BF5;
	[smem:$0x3FB1] =	sst s0  }
0x18: {  	s0 =	sld [smem:$0x3F94];
	_ =	swait.ge [sflag:s4], $0x0  }
0x19: {  	s7 =	sld [smem:$0x3F95]  }
0x1a: {  	s8 =	sadd.s32 $0xFFFFE003, lr  }
0x1b: {  	s9 =	sadd.s32 $0xFFFFFEF7, lr;
	s5 =	simm.s32 $0xFFFFFFFF;
	p2 =	slt.u32 s8, $0xFFFFF086  }
0x1c: {  	p1 =	slt.u32 s9, $0xF7A;
	s5 =	simm.s32 @!p2 $0x0  }
0x1d: {  	s5 =	simm.s32 @p1 $0x1;
	p0 =	seq.s32 s7, s2  }
0x1e: {  	s7 =	smul.u32 @!p0 $0xF7A, s2;
	p2 =	seq.s32 @!p0 s5, $0x0  }
0x1f: {  	s9 =	smul.u32 $0xF7A, s1;
	s8 =	simm.s32 @!p0 $0x1BF5;
	p2 =	por !p2, p0  }
0x20: {  	[sflag:s8] =	ssyncset.s32 @!p0 $0xFFFFF086;
	s6 =	sadd.s32 @!p0 s3, s7;
	s7 =	simm.s32 @!p0 $0x108  }
0x21: {  	s3 =	sadd.s32 s3, s9;
	s6 =	sadd.s32 @!p0 $0x88, s6;
	s7 =	simm.s32 @p2 $0x1082  }
0x22: {  	[simem:s7], [sflag:s8] =	dma.local @!p0 [hbm:s6], $0xF7A  }
0x23: {  	s9 =	sor.u32 $0xD0000000, s2;
	s6 =	simm.s32 $0x108;
	_ =	swait.ge @!p0 [sflag:s8], $0x0  }
0x24: {  	s3 =	sadd.s32 $0x88, s3;
	s6 =	simm.s32 @!p1 $0x1082;
	[sflag:s4] =	ssyncset.s32 $0xFFFFF086  }
0x25: {  	[simem:s6], [sflag:s4] =	dma.local [hbm:s3], $0xF7A  }
0x26: {  	[smem:$0x3F95] =	sst s1;
	(tag) =	ssettag s2;
	_ =	strace s9  }
0x27: {  	s1 =	sld [smem:$0x3FA5]  }
0x28: {  	s2 =	sld [smem:$0x3FA6]  }
0x29: {  	s4 =	sld [smem:$0x3FA8]  }
0x2a: {  	p0 =	seq.s32 s5, $0x0;
	s5 =	sld [smem:$0x3FA9]  }
0x2b: {  	s6 =	sld [smem:$0x3FAA]  }
0x2c: {  	s7 =	sld [smem:$0x3FAB]  }
0x2d: {  	s3 =	simm.s32 $0x108;
	s8 =	sld [smem:$0x3FAC]  }
0x2e: {  	s3 =	simm.s32 @!p0 $0x1082;
	s9 =	sld [smem:$0x3FAD]  }
0x2f: {  	lr =	sadd.s32 s0, s3;
	s0 =	sld [smem:$0x3FA4]  }
0x30: {  	s3 =	sld [smem:$0x3FA7]  }
0x31: {  	[smem:$0x3FB0] =	sst s10  }
0x32: {  	s10 =	sld [smem:$0x3FAE];
	_ =	sdelay $0x3  }
0x33: {  	p0 =	seq.s32 s10, $0x1;
	s10 =	sld [smem:$0x3FB0];
	_ =	sdelay $0x3  }
0x34: {  	[smem:$0x3FB0] =	sst s10  }
0x35: {  	s10 =	sld [smem:$0x3FAF];
	_ =	sdelay $0x3  }
0x36: {  	p1 =	seq.s32 s10, $0x1;
	s10 =	sld [smem:$0x3FB0];
	_ =	sdelay $0x3  }
0x37: {  	[smem:$0x3FB0] =	sst s10  }
0x38: {  	s10 =	sld [smem:$0x3FB1]  }
0x39: {  	_ = 	snop;
	(pc) =	sbr.ind lr, $3  }
0x3a: {  	_ = 	snop  }
0x3b: {  	_ = 	snop  }
0x3c: {  	p2 =	seq.s32 s10, $0x1;
	s10 =	sld [smem:$0x3FB0]  }
0x3d: {  	_ =	shalt  }
0x3e: {  	_ =	shalt  }
0x3f: {  	_ =	shalt  }
0x40: {  	_ =	shalt  }
0x41: {  	_ =	shalt  }
0x42: {  	_ =	shalt  }
0x43: {  	_ =	shalt  }
0x44: {  	_ =	shalt  }
0x45: {  	_ =	shalt  }
0x46: {  	_ =	shalt  }
0x47: {  	_ =	shalt  }
0x48: {  	_ =	shalt  }
0x49: {  	_ =	shalt  }
0x4a: {  	_ =	shalt  }
0x4b: {  	_ =	shalt  }
0x4c: {  	_ =	shalt  }
0x4d: {  	_ =	shalt  }
0x4e: {  	_ =	shalt  }
0x4f: {  	_ =	shalt  }
0x50: {  	_ =	shalt  }
0x51: {  	_ =	shalt  }
0x52: {  	_ =	shalt  }
0x53: {  	_ =	shalt  }
0x54: {  	_ =	shalt  }
0x55: {  	_ =	shalt  }
0x56: {  	_ =	shalt  }
0x57: {  	_ =	shalt  }
0x58: {  	_ =	shalt  }
0x59: {  	_ =	shalt  }
0x5a: {  	_ =	shalt  }
0x5b: {  	_ =	shalt  }
0x5c: {  	_ =	shalt  }
0x5d: {  	_ =	shalt  }
0x5e: {  	_ =	shalt  }
0x5f: {  	_ =	shalt  }
0x60: {  	_ =	shalt  }
0x61: {  	_ =	shalt  }
0x62: {  	_ =	shalt  }
0x63: {  	_ =	shalt  }
0x64: {  	_ =	shalt  }
0x65: {  	_ =	shalt  }
0x66: {  	_ =	shalt  }
0x67: {  	_ =	shalt  }
0x68: {  	_ =	shalt  }
0x69: {  	_ =	shalt  }
0x6a: {  	_ =	shalt  }
0x6b: {  	_ =	shalt  }
0x6c: {  	_ =	shalt  }
0x6d: {  	_ =	shalt  }
0x6e: {  	_ =	shalt  }
0x6f: {  	_ =	shalt  }
0x70: {  	_ =	shalt  }
0x71: {  	_ =	shalt  }
0x72: {  	_ =	shalt  }
0x73: {  	_ =	shalt  }
0x74: {  	_ =	shalt  }
0x75: {  	_ =	shalt  }
0x76: {  	_ =	shalt  }
0x77: {  	_ =	shalt  }
0x78: {  	_ =	shalt  }
0x79: {  	_ =	shalt  }
0x7a: {  	_ =	shalt  }
0x7b: {  	_ =	shalt  }
0x7c: {  	_ =	shalt  }
0x7d: {  	_ =	shalt  }
0x7e: {  	_ =	shalt  }
0x7f: {  	_ =	shalt  }
0x80: {  	_ =	shalt  }
0x81: {  	_ =	shalt  }
0x82: {  	_ =	shalt  }
0x83: {  	_ =	shalt  }
0x84: {  	_ =	shalt  }
0x85: {  	_ =	shalt  }
0x86: {  	_ =	shalt  }
0x87: {  	_ =	shalt  }
.Lfunc_end0:
.L_simem_size_0:
called_computation_lowered:
.L_overlay_start_0:
0x88: {  	s2 =	sld [smem:$0x3FD9]  }
0x89: {  	s3 =	sld [smem:$0x3FFE];
	_ =	sdelay $0x1  }
0x8a: {  	s1 =	srdreg.scid  }
0x8b: {  	s0 =	sand.u32 $0x1, s1  }
0x8c: {  	s16 =	sshll.u32 s0, $0xA;
	s2 =	sadd.s32 s3, s2  }
0x8d: {  	s2 =	sadd.s32 s2, s16  }
0x8e: {  	[smem:$0x3FBC] =	sst s2  }
0x8f: {  	_ = 	snop  }
0x90: {  	(tm) =	ssettm $0x1  }
0x91: {  	s17 =	sld [smem:$0x3FFB];
	_ =	sdelay $0x3  }
0x92: {  	_ =	strace s17  }
0x93: {  	s2 =	sld [smem:$0x3FFC];
	_ =	sdelay $0x3  }
0x94: {  	_ =	strace s2  }
0x95: {  	s2 =	sld [smem:$0x3FFD];
	_ =	sdelay $0x3  }
0x96: {  	_ =	strace s2  }
0x97: {  	_ =	strace $0x8FFFFFFF  }
0x98: {  	s18 =	sld [smem:$0x3FDB];
	_ =	sdelay $0x1  }
0x99: {  	s19 =	simm.s32 $_scs_section_size  }
0x9a: {  	s4 =	simm.s32 $_size__tile_overlayer_lowered;
	s5 =	simm.s32 $_tile_overlayer_lowered  }
0x9b: {  	s22 =	simm.s32 $0x1BFF;
	s21 =	sshll.u32 s5, $0x1;
	s2 =	sadd.s32 s19, s18  }
0x9c: {  	s6 =	simm.s32 $0x0;
	s20 =	sshll.u32 s4, $0x1;
	s4 =	sadd.s32 s21, s2  }
0x9d: {  	[timem:s6], [sflag:s22] =	dma.local [hbm:s4], s20  }
0x9e: {  	_ =	swait.ge [sflag:s22], s20  }
0x9f: {  	s3 =	ssub.s32 $0x0, s20;
	[sflag:s22] =	ssyncset.done $0x0  }
0xa0: {  	[sflag:s22] =	ssyncadd.s32 s3;
	_ =	sdelay $0x1  }
0xa1: {  	s23 =	simm.s32 $0x1B8B  }
0xa2: {  	_ =	swait.ge [sflag:s23], $0x1  }
0xa3: {  	[sflag:s23] =	ssyncset.done $0x0  }
0xa4: {  	s25 =	simm.s32 $0x1B8E;
	s24 =	sld [smem:$0x3FFE];
	[sflag:s23] =	ssyncadd.s32 $0xFFFFFFFF  }
0xa5: {  	s26 =	simm.s32 $execute0_lowered;
	[smem:$0x3FD2] =	sst s25  }
0xa6: {  	s4 =	sshll.u32 s26, $0x1;
	_ =	strace $0x80000046;
	[dreg:$0x1] =	wrdreg $0xFFFFFFFF  }
0xa7: {  	s28 =	simm.s32 $_size_execute0_lowered;
	s2 =	sadd.s32 s2, s4;
	[dreg:$0x0] =	wrdreg $0x0  }
0xa8: {  	s4 =	sshll.u32 s28, $0x1;
	[dreg:$0x2] =	wrdreg s2  }
0xa9: {  	[dreg:$0x3] =	wrdreg s4  }
0xaa: {  	[dreg:$0x4] =	wrdreg $0xC0  }
0xab: {  	_ =	task [dreg:s6], $0x5FFFF  }
0xac: {  	[dreg:$0x1] =	wrdreg $0xFFFFFFFF  }
0xad: {  	[dreg:$0x0] =	wrdreg $0x60  }
0xae: {  	[dreg:$0x2] =	wrdreg s24  }
0xaf: {  	[dreg:$0x3] =	wrdreg $0x9  }
0xb0: {  	_ =	task.clear_ibuf [dreg:s6], $0x4FFFF;
	_ =	strace $0x90000046  }
0xb1: {  	s29 =	simm.s32 $0x9;
	_ =	strace $0x80000048  }
0xb2: {  	_ =	swait.ge [sflag:s29], $0x1  }
0xb3: {  	[sflag:s29] =	ssyncadd.s32 $0xFFFFFFFF  }
0xb4: {  	_ =	strace $0x90000048  }
0xb5: {  	_ =	sfence  }
0xb6: {  	s30 =	sld [smem:$0x0];
	_ =	sdelay $0x2  }
0xb7: {  	s31 =	sshll.u32 s1, $0xD;
	s1 =	sshrl.u32 s1, $0x2  }
0xb8: {  	s3 =	sand.u32 $0x4000, s31;
	s1 =	sadd.s32 s1, s30  }
0xb9: {  	s0 =	sor.u32 s3, s0;
	s1 =	sshll.u32 s1, $0x11  }
0xba: {  	s0 =	sor.u32 s1, s0  }
0xbb: {  	s0 =	sadd.s32 $0x8F2B, s0  }
0xbc: {  	[sflag:s0] =	ssyncadd.remote.s32 $0x1  }
0xbd: {  	_ =	sfence.sel $0xFFFF  }
0xbe: {  	[dreg:$0x0] =	wrdreg $0xFFFFFFFF;
	(pc) =	sbr.abs _section_cstart, $3  }
0xbf: {  	[dreg:$0x1] =	wrdreg $0xFFFFFFFF  }
0xc0: {  	_ =	task.clear_ibuf [dreg:s6], $0x2FFFF;
	_ =	strace $0x9FFFFFFF  }
0xc1: {  	(tm) =	ssettm $0x7FFFFFFF  }
tec
execute0_lowered:
.L_overlay_start_1:
0x0: {  	(tag) =	ssettag $0x1  }
0x1: {  	s1 =	srdreg.scid  }
0x2: {  	s0 =	stileid.u32;
	s24 =	sand.u32 $0x1, s1  }
0x3: {  	s30 =	sshll.u32 s0, $0xB;
	s2 =	sshll.u32 s24, $0xA  }
0x4: {  	s10 =	rddreg [dreg:$0x0];
	s11 =	sor.u32 s2, s30  }
0x5: {  	s1 =	rddreg [dreg:$0x1];
	s2 =	simm.s32 $0x0;
	s3 =	sshrl.u32 s11, $0x3  }
0x6: {  	[smem:$0x7FF] =	sst s2;
	s3 =	sadd.s32 s3, s10  }
0x7: {  	_ =	strace $0x80000047;
	s4 =	sadd.s32 $0x1E00, s3;
	s3 =	simm.s32 $0x3  }
0x8: {  	[tilespmem:s2], [sflag:$0x3] =	stream.linear.gather [hbm4b:s4+s2], $0x400, $0x38;
	[tilespmem:$0x2400] =	vst v63  }
0x9: {  	_ =	swait.ge [sflag:s3], $0x400  }
0xa: {  	s6 =	simm.s32 $0x80;
	[sflag:s3] =	ssyncset.done $0x0  }
0xb: {  	s7 =	simm.s32 $0x400;
	s5 =	sadd.s32 $0x3E00, s10;
	[sflag:s3] =	ssyncadd.s32 $0xFFFFFC00  }
0xc: {  	[tilespmem:s7], [sflag:$0x1] =	stream.indirect.gather [hbm4b:s5+s6], $0x20, s2, s6, $0xb8;
	[tilespmem:$0x2400] =	vst v63  }
0xd: {  	s8 =	simm.s32 $0x1400;
	s9 =	simm.s32 $0x1  }
0xe: {  	[tilespmem:s8], [sflag:$0x2] =	stream.indirect.gather [hbm4b:s5+s6], $0x20, s6, s6, $0xb8;
	[tilespmem:$0x2400] =	vst v63  }
0xf: {  	s11 =	sshll.u32 s11, $0x2;
	_ =	swait.ge [sflag:s9], $0x1000  }
0x10: {  	s25 =	sadd.s32 s11, s10;
	[sflag:s9] =	ssyncset.done $0x0  }
0x11: {  	s10 =	sadd.s32 $0x5E00, s25;
	[sflag:s9] =	ssyncadd.s32 $0xFFFFF000  }
0x12: {  	[hbm4b:s10+s2] =	stream.linear.scatter [tilespmem:s7], [sflag:$0x3], $0x1000, $0x38;
	[tilespmem:$0x2400] =	vst v63  }
0x13: {  	_ =	swait.ge [sflag:s3], $0x1000  }
0x14: {  	[sflag:s3] =	ssyncset.done $0x0  }
0x15: {  	s12 =	simm.s32 $0x2;
	s11 =	simm.s32 $0x100;
	[sflag:s3] =	ssyncadd.s32 $0xFFFFF000  }
0x16: {  	[tilespmem:s7], [sflag:$0x1] =	stream.indirect.gather [hbm4b:s5+s6], $0x20, s11, s6, $0xb8;
	[tilespmem:$0x2400] =	vst v63  }
0x17: {  	_ =	swait.ge [sflag:s12], $0x1000  }
0x18: {  	[sflag:s12] =	ssyncset.done $0x0  }
0x19: {  	s13 =	sadd.s32 $0x6000, s25;
	[sflag:s12] =	ssyncadd.s32 $0xFFFFF000  }
0x1a: {  	[hbm4b:s13+s2] =	stream.linear.scatter [tilespmem:s8], [sflag:$0x3], $0x1000, $0x38;
	[tilespmem:$0x2400] =	vst v63  }
0x1b: {  	_ =	swait.ge [sflag:s3], $0x1000  }
0x1c: {  	[sflag:s3] =	ssyncset.done $0x0  }
0x1d: {  	s14 =	simm.s32 $0x180;
	[sflag:s3] =	ssyncadd.s32 $0xFFFFF000  }
0x1e: {  	[tilespmem:s8], [sflag:$0x2] =	stream.indirect.gather [hbm4b:s5+s6], $0x20, s14, s6, $0xb8;
	[tilespmem:$0x2400] =	vst v63  }
0x1f: {  	_ =	swait.ge [sflag:s9], $0x1000  }
0x20: {  	[sflag:s9] =	ssyncset.done $0x0  }
0x21: {  	s15 =	sadd.s32 $0x6200, s25;
	[sflag:s9] =	ssyncadd.s32 $0xFFFFF000  }
0x22: {  	[hbm4b:s15+s2] =	stream.linear.scatter [tilespmem:s7], [sflag:$0x3], $0x1000, $0x38;
	[tilespmem:$0x2400] =	vst v63  }
0x23: {  	_ =	swait.ge [sflag:s3], $0x1000  }
0x24: {  	[sflag:s3] =	ssyncset.done $0x0  }
0x25: {  	s16 =	simm.s32 $0x200;
	[sflag:s3] =	ssyncadd.s32 $0xFFFFF000  }
0x26: {  	[tilespmem:s7], [sflag:$0x1] =	stream.indirect.gather [hbm4b:s5+s6], $0x20, s16, s6, $0xb8;
	[tilespmem:$0x2400] =	vst v63  }
0x27: {  	_ =	swait.ge [sflag:s12], $0x1000  }
0x28: {  	[sflag:s12] =	ssyncset.done $0x0  }
0x29: {  	s17 =	sadd.s32 $0x6400, s25;
	[sflag:s12] =	ssyncadd.s32 $0xFFFFF000  }
0x2a: {  	[hbm4b:s17+s2] =	stream.linear.scatter [tilespmem:s8], [sflag:$0x3], $0x1000, $0x38;
	[tilespmem:$0x2400] =	vst v63  }
0x2b: {  	_ =	swait.ge [sflag:s3], $0x1000  }
0x2c: {  	[sflag:s3] =	ssyncset.done $0x0  }
0x2d: {  	s18 =	simm.s32 $0x280;
	[sflag:s3] =	ssyncadd.s32 $0xFFFFF000  }
0x2e: {  	[tilespmem:s8], [sflag:$0x2] =	stream.indirect.gather [hbm4b:s5+s6], $0x20, s18, s6, $0xb8;
	[tilespmem:$0x2400] =	vst v63  }
0x2f: {  	_ =	swait.ge [sflag:s9], $0x1000  }
0x30: {  	[sflag:s9] =	ssyncset.done $0x0  }
0x31: {  	s19 =	sadd.s32 $0x6600, s25;
	[sflag:s9] =	ssyncadd.s32 $0xFFFFF000  }
0x32: {  	[hbm4b:s19+s2] =	stream.linear.scatter [tilespmem:s7], [sflag:$0x3], $0x1000, $0x38;
	[tilespmem:$0x2400] =	vst v63  }
0x33: {  	_ =	swait.ge [sflag:s3], $0x1000  }
0x34: {  	[sflag:s3] =	ssyncset.done $0x0  }
0x35: {  	s20 =	simm.s32 $0x300;
	[sflag:s3] =	ssyncadd.s32 $0xFFFFF000  }
0x36: {  	[tilespmem:s7], [sflag:$0x1] =	stream.indirect.gather [hbm4b:s5+s6], $0x20, s20, s6, $0xb8;
	[tilespmem:$0x2400] =	vst v63  }
0x37: {  	_ =	swait.ge [sflag:s12], $0x1000  }
0x38: {  	[sflag:s12] =	ssyncset.done $0x0  }
0x39: {  	s21 =	sadd.s32 $0x6800, s25;
	[sflag:s12] =	ssyncadd.s32 $0xFFFFF000  }
0x3a: {  	[hbm4b:s21+s2] =	stream.linear.scatter [tilespmem:s8], [sflag:$0x3], $0x1000, $0x38;
	[tilespmem:$0x2400] =	vst v63  }
0x3b: {  	_ =	swait.ge [sflag:s3], $0x1000  }
0x3c: {  	[sflag:s3] =	ssyncset.done $0x0  }
0x3d: {  	s22 =	simm.s32 $0x380;
	[sflag:s3] =	ssyncadd.s32 $0xFFFFF000  }
0x3e: {  	[tilespmem:s8], [sflag:$0x2] =	stream.indirect.gather [hbm4b:s5+s6], $0x20, s22, s6, $0xb8;
	[tilespmem:$0x2400] =	vst v63  }
0x3f: {  	_ =	swait.ge [sflag:s9], $0x1000  }
0x40: {  	[sflag:s9] =	ssyncset.done $0x0  }
0x41: {  	s24 =	ssub.s32 $0x2, s24;
	s23 =	sadd.s32 $0x6A00, s25;
	[sflag:s9] =	ssyncadd.s32 $0xFFFFF000  }
0x42: {  	[hbm4b:s23+s2] =	stream.linear.scatter [tilespmem:s7], [sflag:$0x3], $0x1000, $0x38;
	[tilespmem:$0x2400] =	vst v63  }
0x43: {  	s26 =	sshrl.u32 s24, $0x1;
	_ =	swait.ge [sflag:s3], $0x1000  }
0x44: {  	s26 =	ssub.s32 s24, s26;
	[sflag:s3] =	ssyncset.done $0x0  }
0x45: {  	s31 =	smax.u32 s26, $0x1;
	[sflag:s3] =	ssyncadd.s32 $0xFFFFF000  }
0x46: {  	p0 =	sne.s32 s31, $0x1;
	_ =	swait.ge [sflag:s12], $0x1000  }
.Ltmp0:
0x47: {  	[sflag:s12] =	ssyncset.done $0x0;
	(pc) =	sbr.rel @!p0 .LBB2_2-.Ltmp0, $4  }
0x48: {  	s24 =	sadd.s32 $0x6C00, s25;
	[sflag:s12] =	ssyncadd.s32 $0xFFFFF000  }
0x49: {  	[hbm4b:s24+s2] =	stream.linear.scatter [tilespmem:s8], [sflag:$0x3], $0x1000, $0x38;
	[tilespmem:$0x2400] =	vst v63  }
0x4a: {  	_ =	swait.ge [sflag:s3], $0x1000  }
0x4b: {  	s25 =	sadd.s32 $0xFFFFFFFF, s31;
	[sflag:s3] =	ssyncset.done $0x0  }
.LBB2_1:
0x4c: {  	p0 =	sne.s32 s25, $0x1;
	s25 =	sadd.s32 $0xFFFFFFFF, s25;
	[sflag:s3] =	ssyncadd.s32 $0xFFFFF000  }
0x4d: {  	[tilespmem:s2], [sflag:$0x3] =	stream.linear.gather [hbm4b:s4+s2], $0x400, $0x38;
	[tilespmem:$0x2400] =	vst v63  }
0x4e: {  	_ =	swait.ge [sflag:s3], $0x400  }
0x4f: {  	[sflag:s3] =	ssyncset.done $0x0  }
0x50: {  	[sflag:s3] =	ssyncadd.s32 $0xFFFFFC00  }
0x51: {  	[tilespmem:s7], [sflag:$0x1] =	stream.indirect.gather [hbm4b:s5+s6], $0x20, s2, s6, $0xb8;
	[tilespmem:$0x2400] =	vst v63  }
0x52: {  	_ = 	snop  }
0x53: {  	[tilespmem:s8], [sflag:$0x2] =	stream.indirect.gather [hbm4b:s5+s6], $0x20, s6, s6, $0xb8;
	[tilespmem:$0x2400] =	vst v63  }
0x54: {  	_ =	swait.ge [sflag:s9], $0x1000  }
0x55: {  	[sflag:s9] =	ssyncset.done $0x0  }
0x56: {  	[sflag:s9] =	ssyncadd.s32 $0xFFFFF000  }
0x57: {  	[hbm4b:s10+s2] =	stream.linear.scatter [tilespmem:s7], [sflag:$0x3], $0x1000, $0x38;
	[tilespmem:$0x2400] =	vst v63  }
0x58: {  	_ =	swait.ge [sflag:s3], $0x1000  }
0x59: {  	[sflag:s3] =	ssyncset.done $0x0  }
0x5a: {  	[sflag:s3] =	ssyncadd.s32 $0xFFFFF000  }
0x5b: {  	[tilespmem:s7], [sflag:$0x1] =	stream.indirect.gather [hbm4b:s5+s6], $0x20, s11, s6, $0xb8;
	[tilespmem:$0x2400] =	vst v63  }
0x5c: {  	_ =	swait.ge [sflag:s12], $0x1000  }
0x5d: {  	[sflag:s12] =	ssyncset.done $0x0  }
0x5e: {  	[sflag:s12] =	ssyncadd.s32 $0xFFFFF000  }
0x5f: {  	[hbm4b:s13+s2] =	stream.linear.scatter [tilespmem:s8], [sflag:$0x3], $0x1000, $0x38;
	[tilespmem:$0x2400] =	vst v63  }
0x60: {  	_ =	swait.ge [sflag:s3], $0x1000  }
0x61: {  	[sflag:s3] =	ssyncset.done $0x0  }
0x62: {  	[sflag:s3] =	ssyncadd.s32 $0xFFFFF000  }
0x63: {  	[tilespmem:s8], [sflag:$0x2] =	stream.indirect.gather [hbm4b:s5+s6], $0x20, s14, s6, $0xb8;
	[tilespmem:$0x2400] =	vst v63  }
0x64: {  	_ =	swait.ge [sflag:s9], $0x1000  }
0x65: {  	[sflag:s9] =	ssyncset.done $0x0  }
0x66: {  	[sflag:s9] =	ssyncadd.s32 $0xFFFFF000  }
0x67: {  	[hbm4b:s15+s2] =	stream.linear.scatter [tilespmem:s7], [sflag:$0x3], $0x1000, $0x38;
	[tilespmem:$0x2400] =	vst v63  }
0x68: {  	_ =	swait.ge [sflag:s3], $0x1000  }
0x69: {  	[sflag:s3] =	ssyncset.done $0x0  }
0x6a: {  	[sflag:s3] =	ssyncadd.s32 $0xFFFFF000  }
0x6b: {  	[tilespmem:s7], [sflag:$0x1] =	stream.indirect.gather [hbm4b:s5+s6], $0x20, s16, s6, $0xb8;
	[tilespmem:$0x2400] =	vst v63  }
0x6c: {  	_ =	swait.ge [sflag:s12], $0x1000  }
0x6d: {  	[sflag:s12] =	ssyncset.done $0x0  }
0x6e: {  	[sflag:s12] =	ssyncadd.s32 $0xFFFFF000  }
0x6f: {  	[hbm4b:s17+s2] =	stream.linear.scatter [tilespmem:s8], [sflag:$0x3], $0x1000, $0x38;
	[tilespmem:$0x2400] =	vst v63  }
0x70: {  	_ =	swait.ge [sflag:s3], $0x1000  }
0x71: {  	[sflag:s3] =	ssyncset.done $0x0  }
0x72: {  	[sflag:s3] =	ssyncadd.s32 $0xFFFFF000  }
0x73: {  	[tilespmem:s8], [sflag:$0x2] =	stream.indirect.gather [hbm4b:s5+s6], $0x20, s18, s6, $0xb8;
	[tilespmem:$0x2400] =	vst v63  }
0x74: {  	_ =	swait.ge [sflag:s9], $0x1000  }
0x75: {  	[sflag:s9] =	ssyncset.done $0x0  }
0x76: {  	[sflag:s9] =	ssyncadd.s32 $0xFFFFF000  }
0x77: {  	[hbm4b:s19+s2] =	stream.linear.scatter [tilespmem:s7], [sflag:$0x3], $0x1000, $0x38;
	[tilespmem:$0x2400] =	vst v63  }
0x78: {  	_ =	swait.ge [sflag:s3], $0x1000  }
0x79: {  	[sflag:s3] =	ssyncset.done $0x0  }
0x7a: {  	[sflag:s3] =	ssyncadd.s32 $0xFFFFF000  }
0x7b: {  	[tilespmem:s7], [sflag:$0x1] =	stream.indirect.gather [hbm4b:s5+s6], $0x20, s20, s6, $0xb8;
	[tilespmem:$0x2400] =	vst v63  }
0x7c: {  	_ =	swait.ge [sflag:s12], $0x1000  }
0x7d: {  	[sflag:s12] =	ssyncset.done $0x0  }
0x7e: {  	[sflag:s12] =	ssyncadd.s32 $0xFFFFF000  }
0x7f: {  	[hbm4b:s21+s2] =	stream.linear.scatter [tilespmem:s8], [sflag:$0x3], $0x1000, $0x38;
	[tilespmem:$0x2400] =	vst v63  }
0x80: {  	_ =	swait.ge [sflag:s3], $0x1000  }
0x81: {  	[sflag:s3] =	ssyncset.done $0x0  }
0x82: {  	[sflag:s3] =	ssyncadd.s32 $0xFFFFF000  }
0x83: {  	[tilespmem:s8], [sflag:$0x2] =	stream.indirect.gather [hbm4b:s5+s6], $0x20, s22, s6, $0xb8;
	[tilespmem:$0x2400] =	vst v63  }
0x84: {  	_ =	swait.ge [sflag:s9], $0x1000  }
0x85: {  	[sflag:s9] =	ssyncset.done $0x0  }
0x86: {  	[sflag:s9] =	ssyncadd.s32 $0xFFFFF000  }
0x87: {  	[hbm4b:s23+s2] =	stream.linear.scatter [tilespmem:s7], [sflag:$0x3], $0x1000, $0x38;
	[tilespmem:$0x2400] =	vst v63  }
0x88: {  	_ =	swait.ge [sflag:s3], $0x1000  }
0x89: {  	[sflag:s3] =	ssyncset.done $0x0  }
0x8a: {  	[sflag:s3] =	ssyncadd.s32 $0xFFFFF000  }
0x8b: {  	_ =	swait.ge [sflag:s12], $0x1000  }
.Ltmp1:
0x8c: {  	[sflag:s12] =	ssyncset.done $0x0;
	(pc) =	sbr.rel @p0 .LBB2_1-.Ltmp1, $4  }
0x8d: {  	[sflag:s12] =	ssyncadd.s32 $0xFFFFF000  }
0x8e: {  	[hbm4b:s24+s2] =	stream.linear.scatter [tilespmem:s8], [sflag:$0x3], $0x1000, $0x38;
	[tilespmem:$0x2400] =	vst v63  }
0x8f: {  	_ =	swait.ge [sflag:s3], $0x1000  }
0x90: {  	[sflag:s3] =	ssyncset.done $0x0  }
.LBB2_2:
0x91: {  	[sflag:s3] =	ssyncadd.s32 $0xFFFFF000  }
0x92: {  	_ =	sfence.sel $0x180000  }
0x93: {  	[bflag:$0x0] =	sbarrier.arrive $0xFFFF  }
0x94: {  	p0 =	sne.s32 s0, $0x0;
	_ =	strace $0x90000047  }
0x95: {  	s0 =	sadd.s32 @!p0 $0x100000, s1;
	[bflag:$0x2] =	sbarrier.arrive $0xFFFF  }
0x96: {  	[sflag:s0] =	ssyncadd.tile.s32 @!p0 $0x1;
	_ =	shalt  }
.Lfunc_end2:
_tile_overlayer_lowered:
.L_overlay_start_2:
0x97: {  	(tag) =	ssettag $0x2  }
0x98: {  	s0 =	rddreg [dreg:$0x0];
	s2 =	stileid.u32  }
0x99: {  	s1 =	rddreg [dreg:$0x1];
	p0 =	sne.s32 s2, $0x0  }
0x9a: {  	s3 =	rddreg [dreg:$0x2];
	[bflag:$0x3] =	sbarrier.arrive $0xFFFF;
	s2 =	simm.s32 @!p0 $0x1C03  }
0x9b: {  	[timem:s3], [sflag:s2] =	dma.local @!p0 [hbm:s0], s1  }
0x9c: {  	s0 =	simm.s32 @!p0 $0x3  }
0x9d: {  	_ =	swait.ge @!p0 [sflag:s0], s1  }
0x9e: {  	s1 =	ssub.s32 @!p0 $0x0, s1;
	[sflag:s0] =	ssyncset.done @!p0 $0x0  }
0x9f: {  	[sflag:s0] =	ssyncadd.s32 @!p0 s1  }
0xa0: {  	[bflag:$0x3] =	sbarrier.arrive $0xFFFF  }
0xa1: {  	_ =	shalt  }

// kernel: kernel.9.cloned.1.call-start
scs
__scs_entry_jumppad:
0x0: {  	(pc) =	sbr.rel $0x88, $3  }
0x1: {  	(tag) =	ssettag $0x0;
	lr =	simm.s32 $0x1  }
0x2: {  	[smem:$0x3F95] =	sst lr;
	_ =	strace $0xD0000000  }
0x3: {  	_ = 	snop  }
0x4: {  	_ = 	snop  }
0x5: {  	_ = 	snop  }
0x6: {  	_ = 	snop  }
0x7: {  	_ = 	snop  }
__scs_overlays_trampoline_lowered:
0x8: {  	[smem:$0x3FA4] =	sst s0  }
0x9: {  	[smem:$0x3FA5] =	sst s1  }
0xa: {  	[smem:$0x3FA6] =	sst s2  }
0xb: {  	[smem:$0x3FA7] =	sst s3  }
0xc: {  	[smem:$0x3FA8] =	sst s4  }
0xd: {  	[smem:$0x3FA9] =	sst s5  }
0xe: {  	[smem:$0x3FAA] =	sst s6  }
0xf: {  	[smem:$0x3FAB] =	sst s7  }
0x10: {  	[smem:$0x3FAC] =	sst s8  }
0x11: {  	[smem:$0x3FAD] =	sst s9;
	s0 =	simm.s32 @!p0 $0x0  }
0x12: {  	s1 =	sld [smem:$0x3F93];
	s0 =	simm.s32 @p0 $0x1  }
0x13: {  	[smem:$0x3FAE] =	sst s0;
	s0 =	simm.s32 @!p1 $0x0  }
0x14: {  	s2 =	sld [smem:$0x3F92];
	s0 =	simm.s32 @p1 $0x1  }
0x15: {  	[smem:$0x3FAF] =	sst s0;
	s0 =	simm.s32 @!p2 $0x0  }
0x16: {  	s3 =	sld [smem:$0x3FDB];
	s0 =	simm.s32 @p2 $0x1  }
0x17: {  	s4 =	simm.s32 $0x1BF5;
	[smem:$0x3FB1] =	sst s0  }
0x18: {  	s0 =	sld [smem:$0x3F94];
	_ =	swait.ge [sflag:s4], $0x0  }
0x19: {  	s7 =	sld [smem:$0x3F95]  }
0x1a: {  	s8 =	sadd.s32 $0xFFFFE003, lr  }
0x1b: {  	s9 =	sadd.s32 $0xFFFFFEF7, lr;
	s5 =	simm.s32 $0xFFFFFFFF;
	p2 =	slt.u32 s8, $0xFFFFF086  }
0x1c: {  	p1 =	slt.u32 s9, $0xF7A;
	s5 =	simm.s32 @!p2 $0x0  }
0x1d: {  	s5 =	simm.s32 @p1 $0x1;
	p0 =	seq.s32 s7, s2  }
0x1e: {  	s7 =	smul.u32 @!p0 $0xF7A, s2;
	p2 =	seq.s32 @!p0 s5, $0x0  }
0x1f: {  	s9 =	smul.u32 $0xF7A, s1;
	s8 =	simm.s32 @!p0 $0x1BF5;
	p2 =	por !p2, p0  }
0x20: {  	[sflag:s8] =	ssyncset.s32 @!p0 $0xFFFFF086;
	s6 =	sadd.s32 @!p0 s3, s7;
	s7 =	simm.s32 @!p0 $0x108  }
0x21: {  	s3 =	sadd.s32 s3, s9;
	s6 =	sadd.s32 @!p0 $0x88, s6;
	s7 =	simm.s32 @p2 $0x1082  }
0x22: {  	[simem:s7], [sflag:s8] =	dma.local @!p0 [hbm:s6], $0xF7A  }
0x23: {  	s9 =	sor.u32 $0xD0000000, s2;
	s6 =	simm.s32 $0x108;
	_ =	swait.ge @!p0 [sflag:s8], $0x0  }
0x24: {  	s3 =	sadd.s32 $0x88, s3;
	s6 =	simm.s32 @!p1 $0x1082;
	[sflag:s4] =	ssyncset.s32 $0xFFFFF086  }
0x25: {  	[simem:s6], [sflag:s4] =	dma.local [hbm:s3], $0xF7A  }
0x26: {  	[smem:$0x3F95] =	sst s1;
	(tag) =	ssettag s2;
	_ =	strace s9  }
0x27: {  	s1 =	sld [smem:$0x3FA5]  }
0x28: {  	s2 =	sld [smem:$0x3FA6]  }
0x29: {  	s4 =	sld [smem:$0x3FA8]  }
0x2a: {  	p0 =	seq.s32 s5, $0x0;
	s5 =	sld [smem:$0x3FA9]  }
0x2b: {  	s6 =	sld [smem:$0x3FAA]  }
0x2c: {  	s7 =	sld [smem:$0x3FAB]  }
0x2d: {  	s3 =	simm.s32 $0x108;
	s8 =	sld [smem:$0x3FAC]  }
0x2e: {  	s3 =	simm.s32 @!p0 $0x1082;
	s9 =	sld [smem:$0x3FAD]  }
0x2f: {  	lr =	sadd.s32 s0, s3;
	s0 =	sld [smem:$0x3FA4]  }
0x30: {  	s3 =	sld [smem:$0x3FA7]  }
0x31: {  	[smem:$0x3FB0] =	sst s10  }
0x32: {  	s10 =	sld [smem:$0x3FAE];
	_ =	sdelay $0x3  }
0x33: {  	p0 =	seq.s32 s10, $0x1;
	s10 =	sld [smem:$0x3FB0];
	_ =	sdelay $0x3  }
0x34: {  	[smem:$0x3FB0] =	sst s10  }
0x35: {  	s10 =	sld [smem:$0x3FAF];
	_ =	sdelay $0x3  }
0x36: {  	p1 =	seq.s32 s10, $0x1;
	s10 =	sld [smem:$0x3FB0];
	_ =	sdelay $0x3  }
0x37: {  	[smem:$0x3FB0] =	sst s10  }
0x38: {  	s10 =	sld [smem:$0x3FB1]  }
0x39: {  	_ = 	snop;
	(pc) =	sbr.ind lr, $3  }
0x3a: {  	_ = 	snop  }
0x3b: {  	_ = 	snop  }
0x3c: {  	p2 =	seq.s32 s10, $0x1;
	s10 =	sld [smem:$0x3FB0]  }
0x3d: {  	_ =	shalt  }
0x3e: {  	_ =	shalt  }
0x3f: {  	_ =	shalt  }
0x40: {  	_ =	shalt  }
0x41: {  	_ =	shalt  }
0x42: {  	_ =	shalt  }
0x43: {  	_ =	shalt  }
0x44: {  	_ =	shalt  }
0x45: {  	_ =	shalt  }
0x46: {  	_ =	shalt  }
0x47: {  	_ =	shalt  }
0x48: {  	_ =	shalt  }
0x49: {  	_ =	shalt  }
0x4a: {  	_ =	shalt  }
0x4b: {  	_ =	shalt  }
0x4c: {  	_ =	shalt  }
0x4d: {  	_ =	shalt  }
0x4e: {  	_ =	shalt  }
0x4f: {  	_ =	shalt  }
0x50: {  	_ =	shalt  }
0x51: {  	_ =	shalt  }
0x52: {  	_ =	shalt  }
0x53: {  	_ =	shalt  }
0x54: {  	_ =	shalt  }
0x55: {  	_ =	shalt  }
0x56: {  	_ =	shalt  }
0x57: {  	_ =	shalt  }
0x58: {  	_ =	shalt  }
0x59: {  	_ =	shalt  }
0x5a: {  	_ =	shalt  }
0x5b: {  	_ =	shalt  }
0x5c: {  	_ =	shalt  }
0x5d: {  	_ =	shalt  }
0x5e: {  	_ =	shalt  }
0x5f: {  	_ =	shalt  }
0x60: {  	_ =	shalt  }
0x61: {  	_ =	shalt  }
0x62: {  	_ =	shalt  }
0x63: {  	_ =	shalt  }
0x64: {  	_ =	shalt  }
0x65: {  	_ =	shalt  }
0x66: {  	_ =	shalt  }
0x67: {  	_ =	shalt  }
0x68: {  	_ =	shalt  }
0x69: {  	_ =	shalt  }
0x6a: {  	_ =	shalt  }
0x6b: {  	_ =	shalt  }
0x6c: {  	_ =	shalt  }
0x6d: {  	_ =	shalt  }
0x6e: {  	_ =	shalt  }
0x6f: {  	_ =	shalt  }
0x70: {  	_ =	shalt  }
0x71: {  	_ =	shalt  }
0x72: {  	_ =	shalt  }
0x73: {  	_ =	shalt  }
0x74: {  	_ =	shalt  }
0x75: {  	_ =	shalt  }
0x76: {  	_ =	shalt  }
0x77: {  	_ =	shalt  }
0x78: {  	_ =	shalt  }
0x79: {  	_ =	shalt  }
0x7a: {  	_ =	shalt  }
0x7b: {  	_ =	shalt  }
0x7c: {  	_ =	shalt  }
0x7d: {  	_ =	shalt  }
0x7e: {  	_ =	shalt  }
0x7f: {  	_ =	shalt  }
0x80: {  	_ =	shalt  }
0x81: {  	_ =	shalt  }
0x82: {  	_ =	shalt  }
0x83: {  	_ =	shalt  }
0x84: {  	_ =	shalt  }
0x85: {  	_ =	shalt  }
0x86: {  	_ =	shalt  }
0x87: {  	_ =	shalt  }
.Lfunc_end0:
.L_simem_size_0:
called_computation.1_lowered:
.L_overlay_start_0:
0x88: {  	s2 =	sld [smem:$0x3FD9]  }
0x89: {  	s3 =	sld [smem:$0x3FFE];
	_ =	sdelay $0x1  }
0x8a: {  	s1 =	srdreg.scid  }
0x8b: {  	s0 =	sand.u32 $0x1, s1  }
0x8c: {  	s16 =	sshll.u32 s0, $0xA;
	s2 =	sadd.s32 s3, s2  }
0x8d: {  	s2 =	sadd.s32 s2, s16  }
0x8e: {  	[smem:$0x3FBC] =	sst s2  }
0x8f: {  	_ = 	snop  }
0x90: {  	(tm) =	ssettm $0x1  }
0x91: {  	s17 =	sld [smem:$0x3FFB];
	_ =	sdelay $0x3  }
0x92: {  	_ =	strace s17  }
0x93: {  	s2 =	sld [smem:$0x3FFC];
	_ =	sdelay $0x3  }
0x94: {  	_ =	strace s2  }
0x95: {  	s2 =	sld [smem:$0x3FFD];
	_ =	sdelay $0x3  }
0x96: {  	_ =	strace s2  }
0x97: {  	_ =	strace $0x8FFFFFFF  }
0x98: {  	s18 =	sld [smem:$0x3FDB];
	_ =	sdelay $0x1  }
0x99: {  	s19 =	simm.s32 $_scs_section_size  }
0x9a: {  	s4 =	simm.s32 $_size__tile_overlayer_lowered;
	s5 =	simm.s32 $_tile_overlayer_lowered  }
0x9b: {  	s22 =	simm.s32 $0x1BFF;
	s21 =	sshll.u32 s5, $0x1;
	s2 =	sadd.s32 s19, s18  }
0x9c: {  	s6 =	simm.s32 $0x0;
	s20 =	sshll.u32 s4, $0x1;
	s4 =	sadd.s32 s21, s2  }
0x9d: {  	[timem:s6], [sflag:s22] =	dma.local [hbm:s4], s20  }
0x9e: {  	_ =	swait.ge [sflag:s22], s20  }
0x9f: {  	s3 =	ssub.s32 $0x0, s20;
	[sflag:s22] =	ssyncset.done $0x0  }
0xa0: {  	[sflag:s22] =	ssyncadd.s32 s3;
	_ =	sdelay $0x1  }
0xa1: {  	s23 =	simm.s32 $0x1B8B  }
0xa2: {  	_ =	swait.ge [sflag:s23], $0x1  }
0xa3: {  	[sflag:s23] =	ssyncset.done $0x0  }
0xa4: {  	s25 =	simm.s32 $0x1B8E;
	s24 =	sld [smem:$0x3FFE];
	[sflag:s23] =	ssyncadd.s32 $0xFFFFFFFF  }
0xa5: {  	s26 =	simm.s32 $execute0_lowered;
	[smem:$0x3FD2] =	sst s25  }
0xa6: {  	s4 =	sshll.u32 s26, $0x1;
	_ =	strace $0x80000049;
	[dreg:$0x1] =	wrdreg $0xFFFFFFFF  }
0xa7: {  	s28 =	simm.s32 $_size_execute0_lowered;
	s2 =	sadd.s32 s2, s4;
	[dreg:$0x0] =	wrdreg $0x0  }
0xa8: {  	s4 =	sshll.u32 s28, $0x1;
	[dreg:$0x2] =	wrdreg s2  }
0xa9: {  	[dreg:$0x3] =	wrdreg s4  }
0xaa: {  	[dreg:$0x4] =	wrdreg $0xC0  }
0xab: {  	_ =	task [dreg:s6], $0x5FFFF  }
0xac: {  	[dreg:$0x1] =	wrdreg $0xFFFFFFFF  }
0xad: {  	[dreg:$0x0] =	wrdreg $0x60  }
0xae: {  	[dreg:$0x2] =	wrdreg s24  }
0xaf: {  	[dreg:$0x3] =	wrdreg $0x84000  }
0xb0: {  	[dreg:$0x4] =	wrdreg $0x9  }
0xb1: {  	_ =	task.clear_ibuf [dreg:s6], $0x5FFFF;
	_ =	strace $0x90000049  }
0xb2: {  	s29 =	simm.s32 $0x9;
	_ =	strace $0x8000004B  }
0xb3: {  	_ =	swait.ge [sflag:s29], $0x1  }
0xb4: {  	[sflag:s29] =	ssyncadd.s32 $0xFFFFFFFF  }
0xb5: {  	_ =	strace $0x9000004B  }
0xb6: {  	_ =	sfence  }
0xb7: {  	s30 =	sld [smem:$0x0];
	_ =	sdelay $0x2  }
0xb8: {  	s31 =	sshll.u32 s1, $0xD;
	s1 =	sshrl.u32 s1, $0x2  }
0xb9: {  	s3 =	sand.u32 $0x4000, s31;
	s1 =	sadd.s32 s1, s30  }
0xba: {  	s0 =	sor.u32 s3, s0;
	s1 =	sshll.u32 s1, $0x11  }
0xbb: {  	s0 =	sor.u32 s1, s0  }
0xbc: {  	s0 =	sadd.s32 $0x8F2B, s0  }
0xbd: {  	[sflag:s0] =	ssyncadd.remote.s32 $0x1  }
0xbe: {  	_ =	sfence.sel $0xFFFF  }
0xbf: {  	[dreg:$0x0] =	wrdreg $0xFFFFFFFF;
	(pc) =	sbr.abs _section_cstart, $3  }
0xc0: {  	[dreg:$0x1] =	wrdreg $0xFFFFFFFF  }
0xc1: {  	_ =	task.clear_ibuf [dreg:s6], $0x2FFFF;
	_ =	strace $0x9FFFFFFF  }
0xc2: {  	(tm) =	ssettm $0x7FFFFFFF  }
0xc3: {  	_ =	shalt  }
tec
execute0_lowered:
.L_overlay_start_1:
0x0: {  	(tag) =	ssettag $0x1  }
0x1: {  	s1 =	srdreg.scid;
	s10 =	rddreg [dreg:$0x0]  }
0x2: {  	s0 =	stileid.u32;
	s2 =	rddreg [dreg:$0x1];
	s3 =	simm.s32 $0x0  }
0x3: {  	s7 =	simm.s32 $0x400;
	s29 =	sand.u32 $0x1, s1;
	s4 =	sshll.u32 s0, $0xB  }
0x4: {  	[smem:$0x7FF] =	sst s3;
	s31 =	sshll.u32 s0, $0xE;
	s5 =	sshll.u32 s29, $0xA  }
0x5: {  	s6 =	sshll.u32 s0, $0x6;
	_ =	strace $0x8000004A;
	s11 =	sor.u32 s5, s4  }
0x6: {  	s30 =	sadd.s32 s4, s10;
	s8 =	sadd.s32 s31, s2;
	s5 =	sshll.u32 s11, $0x4  }
0x7: {  	s6 =	sor.u32 $0x1C03, s6;
	s9 =	sshrl.u32 s8, $0x3;
	s25 =	sadd.s32 s5, s10  }
0x8: {  	s8 =	simm.s32 $0x3;
	s5 =	sadd.s32 $0x83E00, s30;
	s4 =	sadd.s32 $0x3E00, s25  }
0x9: {  	[tilespmem:s7], [sflag:$0x1] =	stream.linear.gather [hbm4b:s4+s3], $0x4000, $0x38;
	[tilespmem:$0xC400] =	vst v63  }
0xa: {  	[spmem:s9], [sflag:s6] =	dma.local [hbm:s5], $0x800  }
0xb: {  	s11 =	sshrl.u32 s11, $0x3;
	_ =	swait.ge [sflag:s8], $0x800  }
0xc: {  	s10 =	sadd.s32 s11, s10;
	[sflag:s8] =	ssyncset.done $0x0  }
0xd: {  	s10 =	sadd.s32 $0x2E00, s10;
	[sflag:s8] =	ssyncadd.s32 $0xFFFFF800  }
0xe: {  	[tilespmem:s3], [sflag:$0x3] =	stream.linear.gather [hbm4b:s10+s3], $0x400, $0x38;
	[tilespmem:$0xC400] =	vst v63  }
0xf: {  	_ =	swait.ge [sflag:s8], $0x400  }
0x10: {  	[sflag:s8] =	ssyncset.done $0x0  }
0x11: {  	s12 =	simm.s32 $0x4400;
	[sflag:s8] =	ssyncadd.s32 $0xFFFFFC00  }
0x12: {  	s13 =	simm.s32 $0x1;
	s11 =	sadd.s32 $0x4600, s25;
	[bflag:$0x0] =	sbarrier.arrive $0xFFFF  }
0x13: {  	[tilespmem:s12], [sflag:$0x2] =	stream.linear.gather [hbm4b:s11+s3], $0x4000, $0x38;
	[tilespmem:$0xC400] =	vst v63  }
0x14: {  	_ =	swait.ge [sflag:s13], $0x4000  }
0x15: {  	[sflag:s13] =	ssyncset.done $0x0  }
0x16: {  	s14 =	simm.s32 $0x80;
	[sflag:s13] =	ssyncadd.s32 $0xFFFFC000  }
0x17: {  	[spmem:s2] =	stream.indirect.scatter.add.f32 [tilespmem:s7], [sflag:$0x3], $0x80, s3, s14, $0xb8;
	[tilespmem:$0xC400] =	vst v63  }
0x18: {  	_ =	swait.ge [sflag:s8], $0x4000  }
0x19: {  	[sflag:s8] =	ssyncset.done $0x0  }
0x1a: {  	s16 =	simm.s32 $0x2;
	s15 =	sadd.s32 $0x4E00, s25;
	[sflag:s8] =	ssyncadd.s32 $0xFFFFC000  }
0x1b: {  	[tilespmem:s7], [sflag:$0x1] =	stream.linear.gather [hbm4b:s15+s3], $0x4000, $0x38;
	[tilespmem:$0xC400] =	vst v63  }
0x1c: {  	_ =	swait.ge [sflag:s16], $0x4000  }
0x1d: {  	[sflag:s16] =	ssyncset.done $0x0  }
0x1e: {  	[sflag:s16] =	ssyncadd.s32 $0xFFFFC000  }
0x1f: {  	[spmem:s2] =	stream.indirect.scatter.add.f32 [tilespmem:s12], [sflag:$0x3], $0x80, s14, s14, $0xb8;
	[tilespmem:$0xC400] =	vst v63  }
0x20: {  	_ =	swait.ge [sflag:s8], $0x4000  }
0x21: {  	[sflag:s8] =	ssyncset.done $0x0  }
0x22: {  	s17 =	sadd.s32 $0x5600, s25;
	[sflag:s8] =	ssyncadd.s32 $0xFFFFC000  }
0x23: {  	[tilespmem:s12], [sflag:$0x2] =	stream.linear.gather [hbm4b:s17+s3], $0x4000, $0x38;
	[tilespmem:$0xC400] =	vst v63  }
0x24: {  	_ =	swait.ge [sflag:s13], $0x4000  }
0x25: {  	[sflag:s13] =	ssyncset.done $0x0  }
0x26: {  	s18 =	simm.s32 $0x100;
	[sflag:s13] =	ssyncadd.s32 $0xFFFFC000  }
0x27: {  	[spmem:s2] =	stream.indirect.scatter.add.f32 [tilespmem:s7], [sflag:$0x3], $0x80, s18, s14, $0xb8;
	[tilespmem:$0xC400] =	vst v63  }
0x28: {  	_ =	swait.ge [sflag:s8], $0x4000  }
0x29: {  	[sflag:s8] =	ssyncset.done $0x0  }
0x2a: {  	s19 =	sadd.s32 $0x5E00, s25;
	[sflag:s8] =	ssyncadd.s32 $0xFFFFC000  }
0x2b: {  	[tilespmem:s7], [sflag:$0x1] =	stream.linear.gather [hbm4b:s19+s3], $0x4000, $0x38;
	[tilespmem:$0xC400] =	vst v63  }
0x2c: {  	_ =	swait.ge [sflag:s16], $0x4000  }
0x2d: {  	[sflag:s16] =	ssyncset.done $0x0  }
0x2e: {  	s20 =	simm.s32 $0x180;
	[sflag:s16] =	ssyncadd.s32 $0xFFFFC000  }
0x2f: {  	[spmem:s2] =	stream.indirect.scatter.add.f32 [tilespmem:s12], [sflag:$0x3], $0x80, s20, s14, $0xb8;
	[tilespmem:$0xC400] =	vst v63  }
0x30: {  	_ =	swait.ge [sflag:s8], $0x4000  }
0x31: {  	[sflag:s8] =	ssyncset.done $0x0  }
0x32: {  	s21 =	sadd.s32 $0x6600, s25;
	[sflag:s8] =	ssyncadd.s32 $0xFFFFC000  }
0x33: {  	[tilespmem:s12], [sflag:$0x2] =	stream.linear.gather [hbm4b:s21+s3], $0x4000, $0x38;
	[tilespmem:$0xC400] =	vst v63  }
0x34: {  	_ =	swait.ge [sflag:s13], $0x4000  }
0x35: {  	[sflag:s13] =	ssyncset.done $0x0  }
0x36: {  	s22 =	simm.s32 $0x200;
	[sflag:s13] =	ssyncadd.s32 $0xFFFFC000  }
0x37: {  	[spmem:s2] =	stream.indirect.scatter.add.f32 [tilespmem:s7], [sflag:$0x3], $0x80, s22, s14, $0xb8;
	[tilespmem:$0xC400] =	vst v63  }
0x38: {  	_ =	swait.ge [sflag:s8], $0x4000  }
0x39: {  	[sflag:s8] =	ssyncset.done $0x0  }
0x3a: {  	s23 =	sadd.s32 $0x6E00, s25;
	[sflag:s8] =	ssyncadd.s32 $0xFFFFC000  }
0x3b: {  	[tilespmem:s7], [sflag:$0x1] =	stream.linear.gather [hbm4b:s23+s3], $0x4000, $0x38;
	[tilespmem:$0xC400] =	vst v63  }
0x3c: {  	_ =	swait.ge [sflag:s16], $0x4000  }
0x3d: {  	[sflag:s16] =	ssyncset.done $0x0  }
0x3e: {  	s24 =	simm.s32 $0x280;
	[sflag:s16] =	ssyncadd.s32 $0xFFFFC000  }
0x3f: {  	[spmem:s2] =	stream.indirect.scatter.add.f32 [tilespmem:s12], [sflag:$0x3], $0x80, s24, s14, $0xb8;
	[tilespmem:$0xC400] =	vst v63  }
0x40: {  	_ =	swait.ge [sflag:s8], $0x4000  }
0x41: {  	[sflag:s8] =	ssyncset.done $0x0  }
0x42: {  	s25 =	sadd.s32 $0x7600, s25;
	[sflag:s8] =	ssyncadd.s32 $0xFFFFC000  }
0x43: {  	[tilespmem:s12], [sflag:$0x2] =	stream.linear.gather [hbm4b:s25+s3], $0x4000, $0x38;
	[tilespmem:$0xC400] =	vst v63  }
0x44: {  	_ =	swait.ge [sflag:s13], $0x4000  }
0x45: {  	[sflag:s13] =	ssyncset.done $0x0  }
0x46: {  	s26 =	simm.s32 $0x300;
	[sflag:s13] =	ssyncadd.s32 $0xFFFFC000  }
0x47: {  	[spmem:s2] =	stream.indirect.scatter.add.f32 [tilespmem:s7], [sflag:$0x3], $0x80, s26, s14, $0xb8;
	[tilespmem:$0xC400] =	vst v63  }
0x48: {  	_ =	swait.ge [sflag:s8], $0x4000  }
0x49: {  	[sflag:s8] =	ssyncset.done $0x0  }
0x4a: {  	[sflag:s8] =	ssyncadd.s32 $0xFFFFC000  }
0x4b: {  	s31 =	ssub.s32 $0x2, s29;
	_ =	swait.ge [sflag:s16], $0x4000  }
0x4c: {  	s1 =	sshrl.u32 s31, $0x1;
	[sflag:s16] =	ssyncset.done $0x0  }
0x4d: {  	s28 =	simm.s32 $0x380;
	s1 =	ssub.s32 s31, s1;
	[sflag:s16] =	ssyncadd.s32 $0xFFFFC000  }
0x4e: {  	[spmem:s2] =	stream.indirect.scatter.add.f32 [tilespmem:s12], [sflag:$0x3], $0x80, s28, s14, $0xb8;
	[tilespmem:$0xC400] =	vst v63  }
0x4f: {  	s1 =	smax.u32 s1, $0x1;
	_ =	swait.ge [sflag:s8], $0x4000  }
0x50: {  	s29 =	sshll.u32 s29, $0xF;
	p0 =	sne.s32 s1, $0x1;
	[sflag:s8] =	ssyncset.done $0x0  }
.Ltmp0:
0x51: {  	s29 =	sadd.s32 s29, s30;
	[sflag:s8] =	ssyncadd.s32 $0xFFFFC000;
	(pc) =	sbr.rel @!p0 .LBB2_2-.Ltmp0, $4  }
0x52: {  	s29 =	sadd.s32 $0x8BE00, s29;
	[bflag:$0x0] =	sbarrier.arrive $0xFFFF  }
0x53: {  	[hbm:s29], [sflag:s6] =	dma.local [spmem:s9], $0x800  }
0x54: {  	_ =	swait.ge [sflag:s8], $0x800  }
0x55: {  	s30 =	sadd.s32 $0xFFFFFFFF, s1;
	[sflag:s8] =	ssyncset.done $0x0  }
.LBB2_1:
0x56: {  	p0 =	sne.s32 s30, $0x1;
	s30 =	sadd.s32 $0xFFFFFFFF, s30;
	[sflag:s8] =	ssyncadd.s32 $0xFFFFF800  }
0x57: {  	[tilespmem:s7], [sflag:$0x1] =	stream.linear.gather [hbm4b:s4+s3], $0x4000, $0x38;
	[tilespmem:$0xC400] =	vst v63  }
0x58: {  	[spmem:s9], [sflag:s6] =	dma.local [hbm:s5], $0x800  }
0x59: {  	_ =	swait.ge [sflag:s8], $0x800  }
0x5a: {  	[sflag:s8] =	ssyncset.done $0x0  }
0x5b: {  	[sflag:s8] =	ssyncadd.s32 $0xFFFFF800  }
0x5c: {  	[tilespmem:s3], [sflag:$0x3] =	stream.linear.gather [hbm4b:s10+s3], $0x400, $0x38;
	[tilespmem:$0xC400] =	vst v63  }
0x5d: {  	_ =	swait.ge [sflag:s8], $0x400  }
0x5e: {  	[sflag:s8] =	ssyncset.done $0x0  }
0x5f: {  	[sflag:s8] =	ssyncadd.s32 $0xFFFFFC00  }
0x60: {  	[bflag:$0x0] =	sbarrier.arrive $0xFFFF  }
0x61: {  	[tilespmem:s12], [sflag:$0x2] =	stream.linear.gather [hbm4b:s11+s3], $0x4000, $0x38;
	[tilespmem:$0xC400] =	vst v63  }
0x62: {  	_ =	swait.ge [sflag:s13], $0x4000  }
0x63: {  	[sflag:s13] =	ssyncset.done $0x0  }
0x64: {  	[sflag:s13] =	ssyncadd.s32 $0xFFFFC000  }
0x65: {  	[spmem:s2] =	stream.indirect.scatter.add.f32 [tilespmem:s7], [sflag:$0x3], $0x80, s3, s14, $0xb8;
	[tilespmem:$0xC400] =	vst v63  }
0x66: {  	_ =	swait.ge [sflag:s8], $0x4000  }
0x67: {  	[sflag:s8] =	ssyncset.done $0x0  }
0x68: {  	[sflag:s8] =	ssyncadd.s32 $0xFFFFC000  }
0x69: {  	[tilespmem:s7], [sflag:$0x1] =	stream.linear.gather [hbm4b:s15+s3], $0x4000, $0x38;
	[tilespmem:$0xC400] =	vst v63  }
0x6a: {  	_ =	swait.ge [sflag:s16], $0x4000  }
0x6b: {  	[sflag:s16] =	ssyncset.done $0x0  }
0x6c: {  	[sflag:s16] =	ssyncadd.s32 $0xFFFFC000  }
0x6d: {  	[spmem:s2] =	stream.indirect.scatter.add.f32 [tilespmem:s12], [sflag:$0x3], $0x80, s14, s14, $0xb8;
	[tilespmem:$0xC400] =	vst v63  }
0x6e: {  	_ =	swait.ge [sflag:s8], $0x4000  }
0x6f: {  	[sflag:s8] =	ssyncset.done $0x0  }
0x70: {  	[sflag:s8] =	ssyncadd.s32 $0xFFFFC000  }
0x71: {  	[tilespmem:s12], [sflag:$0x2] =	stream.linear.gather [hbm4b:s17+s3], $0x4000, $0x38;
	[tilespmem:$0xC400] =	vst v63  }
0x72: {  	_ =	swait.ge [sflag:s13], $0x4000  }
0x73: {  	[sflag:s13] =	ssyncset.done $0x0  }
0x74: {  	[sflag:s13] =	ssyncadd.s32 $0xFFFFC000  }
0x75: {  	[spmem:s2] =	stream.indirect.scatter.add.f32 [tilespmem:s7], [sflag:$0x3], $0x80, s18, s14, $0xb8;
	[tilespmem:$0xC400] =	vst v63  }
0x76: {  	_ =	swait.ge [sflag:s8], $0x4000  }
0x77: {  	[sflag:s8] =	ssyncset.done $0x0  }
0x78: {  	[sflag:s8] =	ssyncadd.s32 $0xFFFFC000  }
0x79: {  	[tilespmem:s7], [sflag:$0x1] =	stream.linear.gather [hbm4b:s19+s3], $0x4000, $0x38;
	[tilespmem:$0xC400] =	vst v63  }
0x7a: {  	_ =	swait.ge [sflag:s16], $0x4000  }
0x7b: {  	[sflag:s16] =	ssyncset.done $0x0  }
0x7c: {  	[sflag:s16] =	ssyncadd.s32 $0xFFFFC000  }
0x7d: {  	[spmem:s2] =	stream.indirect.scatter.add.f32 [tilespmem:s12], [sflag:$0x3], $0x80, s20, s14, $0xb8;
	[tilespmem:$0xC400] =	vst v63  }
0x7e: {  	_ =	swait.ge [sflag:s8], $0x4000  }
0x7f: {  	[sflag:s8] =	ssyncset.done $0x0  }
0x80: {  	[sflag:s8] =	ssyncadd.s32 $0xFFFFC000  }
0x81: {  	[tilespmem:s12], [sflag:$0x2] =	stream.linear.gather [hbm4b:s21+s3], $0x4000, $0x38;
	[tilespmem:$0xC400] =	vst v63  }
0x82: {  	_ =	swait.ge [sflag:s13], $0x4000  }
0x83: {  	[sflag:s13] =	ssyncset.done $0x0  }
0x84: {  	[sflag:s13] =	ssyncadd.s32 $0xFFFFC000  }
0x85: {  	[spmem:s2] =	stream.indirect.scatter.add.f32 [tilespmem:s7], [sflag:$0x3], $0x80, s22, s14, $0xb8;
	[tilespmem:$0xC400] =	vst v63  }
0x86: {  	_ =	swait.ge [sflag:s8], $0x4000  }
0x87: {  	[sflag:s8] =	ssyncset.done $0x0  }
0x88: {  	[sflag:s8] =	ssyncadd.s32 $0xFFFFC000  }
0x89: {  	[tilespmem:s7], [sflag:$0x1] =	stream.linear.gather [hbm4b:s23+s3], $0x4000, $0x38;
	[tilespmem:$0xC400] =	vst v63  }
0x8a: {  	_ =	swait.ge [sflag:s16], $0x4000  }
0x8b: {  	[sflag:s16] =	ssyncset.done $0x0  }
0x8c: {  	[sflag:s16] =	ssyncadd.s32 $0xFFFFC000  }
0x8d: {  	[spmem:s2] =	stream.indirect.scatter.add.f32 [tilespmem:s12], [sflag:$0x3], $0x80, s24, s14, $0xb8;
	[tilespmem:$0xC400] =	vst v63  }
0x8e: {  	_ =	swait.ge [sflag:s8], $0x4000  }
0x8f: {  	[sflag:s8] =	ssyncset.done $0x0  }
0x90: {  	[sflag:s8] =	ssyncadd.s32 $0xFFFFC000  }
0x91: {  	[tilespmem:s12], [sflag:$0x2] =	stream.linear.gather [hbm4b:s25+s3], $0x4000, $0x38;
	[tilespmem:$0xC400] =	vst v63  }
0x92: {  	_ =	swait.ge [sflag:s13], $0x4000  }
0x93: {  	[sflag:s13] =	ssyncset.done $0x0  }
0x94: {  	[sflag:s13] =	ssyncadd.s32 $0xFFFFC000  }
0x95: {  	[spmem:s2] =	stream.indirect.scatter.add.f32 [tilespmem:s7], [sflag:$0x3], $0x80, s26, s14, $0xb8;
	[tilespmem:$0xC400] =	vst v63  }
0x96: {  	_ =	swait.ge [sflag:s8], $0x4000  }
0x97: {  	[sflag:s8] =	ssyncset.done $0x0  }
0x98: {  	[sflag:s8] =	ssyncadd.s32 $0xFFFFC000  }
0x99: {  	_ =	swait.ge [sflag:s16], $0x4000  }
0x9a: {  	[sflag:s16] =	ssyncset.done $0x0  }
0x9b: {  	[sflag:s16] =	ssyncadd.s32 $0xFFFFC000  }
0x9c: {  	[spmem:s2] =	stream.indirect.scatter.add.f32 [tilespmem:s12], [sflag:$0x3], $0x80, s28, s14, $0xb8;
	[tilespmem:$0xC400] =	vst v63  }
0x9d: {  	_ =	swait.ge [sflag:s8], $0x4000  }
0x9e: {  	[sflag:s8] =	ssyncset.done $0x0  }
.Ltmp1:
0x9f: {  	[sflag:s8] =	ssyncadd.s32 $0xFFFFC000;
	(pc) =	sbr.rel @p0 .LBB2_1-.Ltmp1, $4  }
0xa0: {  	[bflag:$0x0] =	sbarrier.arrive $0xFFFF  }
0xa1: {  	[hbm:s29], [sflag:s6] =	dma.local [spmem:s9], $0x800  }
0xa2: {  	_ =	swait.ge [sflag:s8], $0x800  }
0xa3: {  	[sflag:s8] =	ssyncset.done $0x0  }
.LBB2_2:
0xa4: {  	[sflag:s8] =	ssyncadd.s32 $0xFFFFF800  }
0xa5: {  	_ =	sfence.sel $0x180000  }
0xa6: {  	[bflag:$0x0] =	sbarrier.arrive $0xFFFF  }
0xa7: {  	_ =	strace $0x9000004A  }
0xa8: {  	[bflag:$0x2] =	sbarrier.arrive $0xFFFF  }
0xa9: {  	p0 =	sne.s32 s0, $0x0;
	s0 =	rddreg [dreg:$0x2]  }
0xaa: {  	s0 =	sadd.s32 @!p0 $0x100000, s0  }
0xab: {  	[sflag:s0] =	ssyncadd.tile.s32 @!p0 $0x1;
	_ =	shalt  }
.Lfunc_end2:
_tile_overlayer_lowered:
.L_overlay_start_2:
0xac: {  	(tag) =	ssettag $0x2  }
0xad: {  	s0 =	rddreg [dreg:$0x0];
	s2 =	stileid.u32  }
0xae: {  	s1 =	rddreg [dreg:$0x1];
	p0 =	sne.s32 s2, $0x0  }
0xaf: {  	s3 =	rddreg [dreg:$0x2];
	[bflag:$0x3] =	sbarrier.arrive $0xFFFF;
	s2 =	simm.s32 @!p0 $0x1C03  }
0xb0: {  	[timem:s3], [sflag:s2] =	dma.local @!p0 [hbm:s0], s1  }
0xb1: {  	s0 =	simm.s32 @!p0 $0x3  }
0xb2: {  	_ =	swait.ge @!p0 [sflag:s0], s1  }
0xb3: {  	s1 =	ssub.s32 @!p0 $0x0, s1;
	[sflag:s0] =	ssyncset.done @!p0 $0x0  }
0xb4: {  	[sflag:s0] =	ssyncadd.s32 @!p0 s1  }
0xb5: {  	[bflag:$0x3] =	sbarrier.arrive $0xFFFF  }
0xb6: {  	_ =	shalt  }

</sc_bundles>
